<compile_context>
chip_gen: v7x
topology: tpu7x:2x2x1
jax: 0.10.2.dev20260603
libtpu: 0.0.44.dev20260713+nightly
codegen_flags: <defaults>
</compile_context>

<pallas_src>
import functools

import jax
import jax.numpy as jnp
from jax import lax
from jax.experimental import pallas as pl
from jax.experimental.pallas import tpu as pltpu
from jax.experimental.pallas import tpu_sc as plsc

B, C = 4096, 200
ENC_DIM, VOCAB, TOK_DIM, HIDDEN = 128, 1000000, 64, 512
NW = 32
RPW = B // NW
G1, G2 = 104, 96
UNROLL = 8


def _q_body(enc_ref, w1_ref, b1_ref, w2_ref, q_ref):
    h = lax.dot_general(enc_ref[...], w1_ref[...], (((1,), (1,)), ((), ())),
                        preferred_element_type=jnp.float32)
    h = h + b1_ref[...]
    h = 0.5 * h * (1.0 + lax.erf(h * 0.7071067811865476))
    q_ref[...] = lax.dot_general(h, w2_ref[...], (((1,), (1,)), ((), ())),
                                 preferred_element_type=jnp.float32)


def _q_proj(enc_vec, W1, b1, W2):
    return pl.pallas_call(
        _q_body,
        grid=(8,),
        in_specs=[
            pl.BlockSpec((512, ENC_DIM), lambda i: (i, 0)),
            pl.BlockSpec((HIDDEN, ENC_DIM), lambda i: (0, 0)),
            pl.BlockSpec((1, HIDDEN), lambda i: (0, 0)),
            pl.BlockSpec((TOK_DIM, HIDDEN), lambda i: (0, 0)),
        ],
        out_specs=pl.BlockSpec((512, TOK_DIM), lambda i: (i, 0)),
        out_shape=jax.ShapeDtypeStruct((B, TOK_DIM), jnp.float32),
    )(enc_vec, W1, b1.reshape(1, HIDDEN), W2)


_SLOT = 208


def _score_body(q_hbm, cand_hbm, emb_hbm, out_hbm, idx_v, q_v, buf,
                out_v, sem_a, sem_b):
    wid = lax.axis_index("s") * 2 + lax.axis_index("c")
    base = wid * RPW
    pltpu.sync_copy(cand_hbm.at[pl.ds(base, RPW)], idx_v)
    pltpu.sync_copy(q_hbm.at[pl.ds(base, RPW)], q_v)
    lane = lax.iota(jnp.int32, 16)

    def gather(b, slot, sem):
        r0 = slot * _SLOT
        pltpu.async_copy(
            emb_hbm.at[idx_v.at[b, pl.ds(0, G1)]],
            buf.at[pl.ds(r0, G1)], sem)
        pltpu.async_copy(
            emb_hbm.at[idx_v.at[b, pl.ds(G1, G2)]],
            buf.at[pl.ds(r0 + G1, G2)], sem)

    def drain(slot, sem):
        pltpu.make_async_copy(
            emb_hbm.at[pl.ds(0, C)], buf.at[pl.ds(slot * _SLOT, C)],
            sem).wait()

    perms = tuple(lane ^ k for k in (8, 4, 2, 1))

    def _allsum(s):
        for p in perms:
            s = s + s.at[p].get(mode="promise_in_bounds")
        return s

    def compute(b, srow):
        qv = tuple(q_v[b, pl.ds(16 * j, 16)] for j in range(TOK_DIM // 16))
        mask15 = lane == 15
        iv_row = jnp.zeros((16,), jnp.int32) + b * C

        def chunk_body(t, carry2):
            c0 = t * UNROLL
            row0 = srow + c0
            ivc = iv_row + c0
            for u in range(UNROLL):
                c = row0 + u
                prod = buf[c, pl.ds(0, 16)] * qv[0]
                for j in range(1, TOK_DIM // 16):
                    prod = prod + buf[c, pl.ds(16 * j, 16)] * qv[j]
                plsc.store_scatter(out_v, [ivc + u], _allsum(prod),
                                   mask=mask15)
            return carry2

        lax.fori_loop(0, C // UNROLL, chunk_body, 0)

    def row_body(b, carry):
        nxt = jnp.minimum(b + 1, RPW - 1)
        par = lax.rem(b, 2)

        @pl.when(par == 0)
        def _():
            gather(nxt, 1, sem_b)
            drain(0, sem_a)

        @pl.when(par == 1)
        def _():
            gather(nxt, 0, sem_a)
            drain(1, sem_b)

        compute(b, par * _SLOT)
        return carry

    gather(0, 0, sem_a)
    lax.fori_loop(0, RPW, row_body, 0)
    drain(0, sem_a)
    pltpu.sync_copy(out_v.at[pl.ds(0, RPW * C)],
                    out_hbm.at[pl.ds(base * C, RPW * C)])


@functools.lru_cache(maxsize=1)
def _make_score_kernel():
    mesh = plsc.VectorSubcoreMesh(core_axis_name="c", subcore_axis_name="s")
    return pl.kernel(
        _score_body,
        out_type=jax.ShapeDtypeStruct((B * C,), jnp.float32),
        mesh=mesh,
        scratch_types=[
            pltpu.VMEM((RPW, C), jnp.int32),
            pltpu.VMEM((RPW, TOK_DIM), jnp.float32),
            pltpu.VMEM((2 * _SLOT, TOK_DIM), jnp.float32),
            pltpu.VMEM((RPW * C,), jnp.float32),
            pltpu.SemaphoreType.DMA,
            pltpu.SemaphoreType.DMA,
        ],
        compiler_params=pltpu.CompilerParams(
            use_tc_tiling_on_sc=False, needs_layout_passes=False),
    )


def kernel(enc_vec, cand_tok, tok_emb, W1, b1, W2):
    q = _q_proj(enc_vec, W1, b1, W2)
    cand = cand_tok.astype(jnp.int32)
    flat = _make_score_kernel()(q, cand, tok_emb)
    return flat.reshape(B, C)

# --- scband reference (transcript-rebuilt; emitter-appended) ---
"""Pipeline reference for scband-one-step-generator-30915174596776 (READ-ONLY COPY).

The authoritative reference and input builder live on the scoring server;
editing this copy changes nothing except your own understanding.
"""

import jax, jax.numpy as jnp
import numpy as np

B, C = 4096, 200
ENC_DIM, VOCAB, TOK_DIM, HIDDEN = 128, 1000000, 64, 512


def _xavier(key, shape):
    fan_out, fan_in = shape[0], shape[1]
    limit = (6.0 / (fan_in + fan_out)) ** 0.5
    return jax.random.uniform(key, shape, minval=-limit, maxval=limit, dtype=jnp.float32)


def setup_inputs(seed: int = 0) -> dict:
    key = jax.random.key(seed)
    k1, k2, k3, k4, k5 = jax.random.split(key, 5)
    enc_vec = jax.random.normal(k1, (B, ENC_DIM), dtype=jnp.float32)
    cand_tok = jax.random.randint(k2, (B, C), 0, VOCAB).astype(jnp.int64)
    tok_emb = _xavier(k3, (VOCAB, TOK_DIM))
    # PAD/BOS rows fixed to zero, matching the torch module init
    tok_emb = tok_emb.at[0].set(0.0).at[1].set(0.0)
    W1 = _xavier(k4, (HIDDEN, ENC_DIM))
    b1 = jnp.zeros((HIDDEN,), dtype=jnp.float32)
    W2 = _xavier(k5, (TOK_DIM, HIDDEN))
    return {"enc_vec": enc_vec, "cand_tok": cand_tok, "tok_emb": tok_emb, "W1": W1, "b1": b1, "W2": W2}


def reference(enc_vec, cand_tok, tok_emb, W1, b1, W2):
    # q_proj: Linear -> GELU -> (Dropout is identity in eval) -> Linear(no bias)
    h = enc_vec @ W1.T + b1
    h = jax.nn.gelu(h, approximate=False)
    q = h @ W2.T  # (B, tok_dim)
    # embedding gather of candidate tokens: (B, C, tok_dim)
    Wc = jnp.take(tok_emb, cand_tok, axis=0)
    # score(query, agent) = dot(q, tok_emb[agent])
    logits = jnp.einsum('be,bce->bc', q, Wc)
    return logits

if __name__ == "__main__":
    import jax
    _d = setup_inputs()
    print(jax.jit(kernel)(*tuple(_d.values())))

</pallas_src>

<mosaic_0001>
#map = affine_map<(d0, d1) -> (0, 0)>
#map1 = affine_map<(d0, d1) -> (0)>
module attributes {stable_mosaic.version = 14 : i64} {
  func.func @_score_body(%arg0: i32, %arg1: i32, %arg2: memref<4096x64xf32, #tpu.memory_space<hbm>>, %arg3: memref<4096x200xi32, #tpu.memory_space<hbm>>, %arg4: memref<1000000x64xf32, #tpu.memory_space<hbm>>, %arg5: memref<819200xf32, #tpu.memory_space<hbm>>, %arg6: memref<128x200xi32, #tpu.memory_space<vmem>>, %arg7: memref<128x64xf32, #tpu.memory_space<vmem>>, %arg8: memref<416x64xf32, #tpu.memory_space<vmem>>, %arg9: memref<25600xf32, #tpu.memory_space<vmem>>, %arg10: memref<!tpu.dma_semaphore, #tpu.memory_space<semaphore_mem>>, %arg11: memref<!tpu.dma_semaphore, #tpu.memory_space<semaphore_mem>>) attributes {dimension_semantics = [#tpu.dimension_semantics<core_parallel>, #tpu.dimension_semantics<subcore_parallel>], iteration_bounds = array<i64: 2, 16>, scalar_prefetch = 0 : i64, scratch_operands = 6 : i64, tpu.core_type = #tpu.core_type<sc_vector_subcore>, window_params = [{transform_indices = #map}, {transform_indices = #map}, {transform_indices = #map}, {transform_indices = #map1}]} {
    %mul3A = arith.constant 2 : i32
    %mul3A_0 = arith.muli %arg1, %mul3A : i32
    %add3A = arith.addi %mul3A_0, %arg0 : i32
    %mul3A_1 = arith.constant 128 : i32
    %mul3A_2 = arith.muli %add3A, %mul3A_1 : i32
    "tpu.region"() ({
      %run_scoped3A = tpu.sem_alloc : memref<!tpu.dma_semaphore, #tpu.memory_space<semaphore_mem>>
      %dma_start3A_51 = arith.constant 0 : i32
      %dma_start3A_52 = tpu.memref_slice %arg3[%mul3A_2, %dma_start3A_51] : memref<4096x200xi32, #tpu.memory_space<hbm>> -> memref<128x200xi32, #tpu.memory_space<hbm>>
      %dma_start3A_53 = arith.constant 0 : i32
      %dma_start3A_54 = tpu.memref_slice %arg3[%mul3A_2, %dma_start3A_53] : memref<4096x200xi32, #tpu.memory_space<hbm>> -> memref<128x200xi32, #tpu.memory_space<hbm>>
      tpu.enqueue_dma source(%dma_start3A_54 : memref<128x200xi32, #tpu.memory_space<hbm>>) target(%arg6 : memref<128x200xi32, #tpu.memory_space<vmem>>) target_semaphore(%run_scoped3A : memref<!tpu.dma_semaphore, #tpu.memory_space<semaphore_mem>>)
      %dma_wait3A_55 = arith.constant 0 : i32
      %dma_wait3A_56 = tpu.memref_slice %arg3[%mul3A_2, %dma_wait3A_55] : memref<4096x200xi32, #tpu.memory_space<hbm>> -> memref<128x200xi32, #tpu.memory_space<hbm>>
      %dma_wait3A_57 = arith.constant 0 : i32
      %dma_wait3A_58 = tpu.memref_slice %arg3[%mul3A_2, %dma_wait3A_57] : memref<4096x200xi32, #tpu.memory_space<hbm>> -> memref<128x200xi32, #tpu.memory_space<hbm>>
      tpu.wait_dma2 semaphore(%run_scoped3A : memref<!tpu.dma_semaphore, #tpu.memory_space<semaphore_mem>>) src(%dma_wait3A_58 : memref<128x200xi32, #tpu.memory_space<hbm>>) dst(%arg6 : memref<128x200xi32, #tpu.memory_space<vmem>>)
      tpu.yield
    }) : () -> ()
    "tpu.region"() ({
      %run_scoped3A = tpu.sem_alloc : memref<!tpu.dma_semaphore, #tpu.memory_space<semaphore_mem>>
      %dma_start3A_51 = arith.constant 0 : i32
      %dma_start3A_52 = tpu.memref_slice %arg2[%mul3A_2, %dma_start3A_51] : memref<4096x64xf32, #tpu.memory_space<hbm>> -> memref<128x64xf32, #tpu.memory_space<hbm>>
      %dma_start3A_53 = arith.constant 0 : i32
      %dma_start3A_54 = tpu.memref_slice %arg2[%mul3A_2, %dma_start3A_53] : memref<4096x64xf32, #tpu.memory_space<hbm>> -> memref<128x64xf32, #tpu.memory_space<hbm>>
      tpu.enqueue_dma source(%dma_start3A_54 : memref<128x64xf32, #tpu.memory_space<hbm>>) target(%arg7 : memref<128x64xf32, #tpu.memory_space<vmem>>) target_semaphore(%run_scoped3A : memref<!tpu.dma_semaphore, #tpu.memory_space<semaphore_mem>>)
      %dma_wait3A_55 = arith.constant 0 : i32
      %dma_wait3A_56 = tpu.memref_slice %arg2[%mul3A_2, %dma_wait3A_55] : memref<4096x64xf32, #tpu.memory_space<hbm>> -> memref<128x64xf32, #tpu.memory_space<hbm>>
      %dma_wait3A_57 = arith.constant 0 : i32
      %dma_wait3A_58 = tpu.memref_slice %arg2[%mul3A_2, %dma_wait3A_57] : memref<4096x64xf32, #tpu.memory_space<hbm>> -> memref<128x64xf32, #tpu.memory_space<hbm>>
      tpu.wait_dma2 semaphore(%run_scoped3A : memref<!tpu.dma_semaphore, #tpu.memory_space<semaphore_mem>>) src(%dma_wait3A_58 : memref<128x64xf32, #tpu.memory_space<hbm>>) dst(%arg7 : memref<128x64xf32, #tpu.memory_space<vmem>>)
      tpu.yield
    }) : () -> ()
    %iota3A = tpu.iota {dimensions = array<i32: 0>} : vector<16xi32>
    %xor3A = arith.constant 8 : i32
    %xor3A_3 = vector.broadcast %xor3A : i32 to vector<16xi32>
    %xor3A_4 = arith.xori %iota3A, %xor3A_3 : vector<16xi32>
    %xor3A_5 = arith.constant 4 : i32
    %xor3A_6 = vector.broadcast %xor3A_5 : i32 to vector<16xi32>
    %xor3A_7 = arith.xori %iota3A, %xor3A_6 : vector<16xi32>
    %xor3A_8 = arith.constant 2 : i32
    %xor3A_9 = vector.broadcast %xor3A_8 : i32 to vector<16xi32>
    %xor3A_10 = arith.xori %iota3A, %xor3A_9 : vector<16xi32>
    %xor3A_11 = arith.constant 1 : i32
    %xor3A_12 = vector.broadcast %xor3A_11 : i32 to vector<16xi32>
    %xor3A_13 = arith.xori %iota3A, %xor3A_12 : vector<16xi32>
    %dma_start3A = arith.constant 0 : i32
    %dma_start3A_14 = arith.constant 0 : i32
    %dma_start3A_15 = arith.constant 0 : i32
    %dma_start3A_16 = tpu.memref_slice %arg8[%dma_start3A_14, %dma_start3A_15] : memref<416x64xf32, #tpu.memory_space<vmem>> -> memref<104x64xf32, #tpu.memory_space<vmem>>
    %dma_start3A_17 = arith.constant 0 : i32
    %dma_start3A_18 = tpu.memref_slice %arg6[%dma_start3A, %dma_start3A_17] : memref<128x200xi32, #tpu.memory_space<vmem>> -> memref<1x104xi32, #tpu.memory_space<vmem>>
    %dma_start3A_19 = tpu.memref_squeeze %dma_start3A_18 : memref<1x104xi32, #tpu.memory_space<vmem>> -> memref<104xi32, #tpu.memory_space<vmem>>
    %dma_start3A_20 = arith.constant 0 : i32
    %dma_start3A_21 = arith.constant 0 : i32
    %dma_start3A_22 = tpu.memref_slice %arg4[%dma_start3A_20, %dma_start3A_21] : memref<1000000x64xf32, #tpu.memory_space<hbm>> -> memref<1000000x64xf32, #tpu.memory_space<hbm>>
    tpu.enqueue_indirect_dma source(%dma_start3A_22 : memref<1000000x64xf32, #tpu.memory_space<hbm>>) target(%dma_start3A_16 : memref<104x64xf32, #tpu.memory_space<vmem>>) offsets(%dma_start3A_19 : memref<104xi32, #tpu.memory_space<vmem>>) semaphore(%arg10 : memref<!tpu.dma_semaphore, #tpu.memory_space<semaphore_mem>>)
    %dma_start3A_23 = arith.constant 0 : i32
    %dma_start3A_24 = arith.constant 104 : i32
    %dma_start3A_25 = arith.constant 0 : i32
    %dma_start3A_26 = tpu.memref_slice %arg8[%dma_start3A_24, %dma_start3A_25] : memref<416x64xf32, #tpu.memory_space<vmem>> -> memref<96x64xf32, #tpu.memory_space<vmem>>
    %dma_start3A_27 = arith.constant 104 : i32
    %dma_start3A_28 = tpu.memref_slice %arg6[%dma_start3A_23, %dma_start3A_27] : memref<128x200xi32, #tpu.memory_space<vmem>> -> memref<1x96xi32, #tpu.memory_space<vmem>>
    %dma_start3A_29 = tpu.memref_squeeze %dma_start3A_28 : memref<1x96xi32, #tpu.memory_space<vmem>> -> memref<96xi32, #tpu.memory_space<vmem>>
    %dma_start3A_30 = arith.constant 0 : i32
    %dma_start3A_31 = arith.constant 0 : i32
    %dma_start3A_32 = tpu.memref_slice %arg4[%dma_start3A_30, %dma_start3A_31] : memref<1000000x64xf32, #tpu.memory_space<hbm>> -> memref<1000000x64xf32, #tpu.memory_space<hbm>>
    tpu.enqueue_indirect_dma source(%dma_start3A_32 : memref<1000000x64xf32, #tpu.memory_space<hbm>>) target(%dma_start3A_26 : memref<96x64xf32, #tpu.memory_space<vmem>>) offsets(%dma_start3A_29 : memref<96xi32, #tpu.memory_space<vmem>>) semaphore(%arg10 : memref<!tpu.dma_semaphore, #tpu.memory_space<semaphore_mem>>)
    %scan3A = arith.constant 0 : i32
    %scan3A_33 = arith.constant 0 : i32
    %scan3A_34 = arith.constant 128 : i32
    %scan3A_35 = arith.addi %scan3A_33, %scan3A_34 : i32
    %scan3A_36 = arith.constant 1 : i32
    scf.for %scan3A_51 = %scan3A_33 to %scan3A_35 step %scan3A_36  : i32 {
      %add3A_52 = arith.constant 1 : i32
      %add3A_53 = arith.addi %scan3A_51, %add3A_52 : i32
      %min3A = arith.constant 127 : i32
      %min3A_54 = arith.minsi %add3A_53, %min3A : i32
      %rem3A = arith.constant 2 : i32
      %rem3A_55 = arith.remsi %scan3A_51, %rem3A : i32
      %eq3A = arith.constant 0 : i32
      %eq3A_56 = arith.cmpi eq, %rem3A_55, %eq3A : i32
      %convert_element_type3A = arith.extui %eq3A_56 : i1 to i32
      %cond3A = arith.constant 0 : i32
      %cond3A_57 = arith.cmpi ne, %convert_element_type3A, %cond3A : i32
      scf.if %cond3A_57 {
        %dma_start3A_90 = arith.constant 208 : i32
        %dma_start3A_91 = arith.constant 0 : i32
        %dma_start3A_92 = tpu.memref_slice %arg8[%dma_start3A_90, %dma_start3A_91] : memref<416x64xf32, #tpu.memory_space<vmem>> -> memref<104x64xf32, #tpu.memory_space<vmem>>
        %dma_start3A_93 = arith.constant 0 : i32
        %dma_start3A_94 = tpu.memref_slice %arg6[%min3A_54, %dma_start3A_93] : memref<128x200xi32, #tpu.memory_space<vmem>> -> memref<1x104xi32, #tpu.memory_space<vmem>>
        %dma_start3A_95 = tpu.memref_squeeze %dma_start3A_94 : memref<1x104xi32, #tpu.memory_space<vmem>> -> memref<104xi32, #tpu.memory_space<vmem>>
        %dma_start3A_96 = arith.constant 0 : i32
        %dma_start3A_97 = arith.constant 0 : i32
        %dma_start3A_98 = tpu.memref_slice %arg4[%dma_start3A_96, %dma_start3A_97] : memref<1000000x64xf32, #tpu.memory_space<hbm>> -> memref<1000000x64xf32, #tpu.memory_space<hbm>>
        tpu.enqueue_indirect_dma source(%dma_start3A_98 : memref<1000000x64xf32, #tpu.memory_space<hbm>>) target(%dma_start3A_92 : memref<104x64xf32, #tpu.memory_space<vmem>>) offsets(%dma_start3A_95 : memref<104xi32, #tpu.memory_space<vmem>>) semaphore(%arg11 : memref<!tpu.dma_semaphore, #tpu.memory_space<semaphore_mem>>)
        %dma_start3A_99 = arith.constant 312 : i32
        %dma_start3A_100 = arith.constant 0 : i32
        %dma_start3A_101 = tpu.memref_slice %arg8[%dma_start3A_99, %dma_start3A_100] : memref<416x64xf32, #tpu.memory_space<vmem>> -> memref<96x64xf32, #tpu.memory_space<vmem>>
        %dma_start3A_102 = arith.constant 104 : i32
        %dma_start3A_103 = tpu.memref_slice %arg6[%min3A_54, %dma_start3A_102] : memref<128x200xi32, #tpu.memory_space<vmem>> -> memref<1x96xi32, #tpu.memory_space<vmem>>
        %dma_start3A_104 = tpu.memref_squeeze %dma_start3A_103 : memref<1x96xi32, #tpu.memory_space<vmem>> -> memref<96xi32, #tpu.memory_space<vmem>>
        %dma_start3A_105 = arith.constant 0 : i32
        %dma_start3A_106 = arith.constant 0 : i32
        %dma_start3A_107 = tpu.memref_slice %arg4[%dma_start3A_105, %dma_start3A_106] : memref<1000000x64xf32, #tpu.memory_space<hbm>> -> memref<1000000x64xf32, #tpu.memory_space<hbm>>
        tpu.enqueue_indirect_dma source(%dma_start3A_107 : memref<1000000x64xf32, #tpu.memory_space<hbm>>) target(%dma_start3A_101 : memref<96x64xf32, #tpu.memory_space<vmem>>) offsets(%dma_start3A_104 : memref<96xi32, #tpu.memory_space<vmem>>) semaphore(%arg11 : memref<!tpu.dma_semaphore, #tpu.memory_space<semaphore_mem>>)
        %dma_wait3A_108 = arith.constant 0 : i32
        %dma_wait3A_109 = arith.constant 0 : i32
        %dma_wait3A_110 = tpu.memref_slice %arg8[%dma_wait3A_108, %dma_wait3A_109] : memref<416x64xf32, #tpu.memory_space<vmem>> -> memref<200x64xf32, #tpu.memory_space<vmem>>
        %dma_wait3A_111 = arith.constant 0 : i32
        %dma_wait3A_112 = arith.constant 0 : i32
        %dma_wait3A_113 = tpu.memref_slice %arg4[%dma_wait3A_111, %dma_wait3A_112] : memref<1000000x64xf32, #tpu.memory_space<hbm>> -> memref<200x64xf32, #tpu.memory_space<hbm>>
        %dma_wait3A_114 = arith.constant 0 : i32
        %dma_wait3A_115 = arith.constant 0 : i32
        %dma_wait3A_116 = tpu.memref_slice %arg8[%dma_wait3A_114, %dma_wait3A_115] : memref<416x64xf32, #tpu.memory_space<vmem>> -> memref<200x64xf32, #tpu.memory_space<vmem>>
        %dma_wait3A_117 = arith.constant 0 : i32
        %dma_wait3A_118 = arith.constant 0 : i32
        %dma_wait3A_119 = tpu.memref_slice %arg4[%dma_wait3A_117, %dma_wait3A_118] : memref<1000000x64xf32, #tpu.memory_space<hbm>> -> memref<200x64xf32, #tpu.memory_space<hbm>>
        tpu.wait_dma2 semaphore(%arg10 : memref<!tpu.dma_semaphore, #tpu.memory_space<semaphore_mem>>) src(%dma_wait3A_119 : memref<200x64xf32, #tpu.memory_space<hbm>>) dst(%dma_wait3A_116 : memref<200x64xf32, #tpu.memory_space<vmem>>)
      } else {
      }
      %eq3A_58 = arith.constant 1 : i32
      %eq3A_59 = arith.cmpi eq, %rem3A_55, %eq3A_58 : i32
      %convert_element_type3A_60 = arith.extui %eq3A_59 : i1 to i32
      %cond3A_61 = arith.constant 0 : i32
      %cond3A_62 = arith.cmpi ne, %convert_element_type3A_60, %cond3A_61 : i32
      scf.if %cond3A_62 {
        %dma_start3A_90 = arith.constant 0 : i32
        %dma_start3A_91 = arith.constant 0 : i32
        %dma_start3A_92 = tpu.memref_slice %arg8[%dma_start3A_90, %dma_start3A_91] : memref<416x64xf32, #tpu.memory_space<vmem>> -> memref<104x64xf32, #tpu.memory_space<vmem>>
        %dma_start3A_93 = arith.constant 0 : i32
        %dma_start3A_94 = tpu.memref_slice %arg6[%min3A_54, %dma_start3A_93] : memref<128x200xi32, #tpu.memory_space<vmem>> -> memref<1x104xi32, #tpu.memory_space<vmem>>
        %dma_start3A_95 = tpu.memref_squeeze %dma_start3A_94 : memref<1x104xi32, #tpu.memory_space<vmem>> -> memref<104xi32, #tpu.memory_space<vmem>>
        %dma_start3A_96 = arith.constant 0 : i32
        %dma_start3A_97 = arith.constant 0 : i32
        %dma_start3A_98 = tpu.memref_slice %arg4[%dma_start3A_96, %dma_start3A_97] : memref<1000000x64xf32, #tpu.memory_space<hbm>> -> memref<1000000x64xf32, #tpu.memory_space<hbm>>
        tpu.enqueue_indirect_dma source(%dma_start3A_98 : memref<1000000x64xf32, #tpu.memory_space<hbm>>) target(%dma_start3A_92 : memref<104x64xf32, #tpu.memory_space<vmem>>) offsets(%dma_start3A_95 : memref<104xi32, #tpu.memory_space<vmem>>) semaphore(%arg10 : memref<!tpu.dma_semaphore, #tpu.memory_space<semaphore_mem>>)
        %dma_start3A_99 = arith.constant 104 : i32
        %dma_start3A_100 = arith.constant 0 : i32
        %dma_start3A_101 = tpu.memref_slice %arg8[%dma_start3A_99, %dma_start3A_100] : memref<416x64xf32, #tpu.memory_space<vmem>> -> memref<96x64xf32, #tpu.memory_space<vmem>>
        %dma_start3A_102 = arith.constant 104 : i32
        %dma_start3A_103 = tpu.memref_slice %arg6[%min3A_54, %dma_start3A_102] : memref<128x200xi32, #tpu.memory_space<vmem>> -> memref<1x96xi32, #tpu.memory_space<vmem>>
        %dma_start3A_104 = tpu.memref_squeeze %dma_start3A_103 : memref<1x96xi32, #tpu.memory_space<vmem>> -> memref<96xi32, #tpu.memory_space<vmem>>
        %dma_start3A_105 = arith.constant 0 : i32
        %dma_start3A_106 = arith.constant 0 : i32
        %dma_start3A_107 = tpu.memref_slice %arg4[%dma_start3A_105, %dma_start3A_106] : memref<1000000x64xf32, #tpu.memory_space<hbm>> -> memref<1000000x64xf32, #tpu.memory_space<hbm>>
        tpu.enqueue_indirect_dma source(%dma_start3A_107 : memref<1000000x64xf32, #tpu.memory_space<hbm>>) target(%dma_start3A_101 : memref<96x64xf32, #tpu.memory_space<vmem>>) offsets(%dma_start3A_104 : memref<96xi32, #tpu.memory_space<vmem>>) semaphore(%arg10 : memref<!tpu.dma_semaphore, #tpu.memory_space<semaphore_mem>>)
        %dma_wait3A_108 = arith.constant 208 : i32
        %dma_wait3A_109 = arith.constant 0 : i32
        %dma_wait3A_110 = tpu.memref_slice %arg8[%dma_wait3A_108, %dma_wait3A_109] : memref<416x64xf32, #tpu.memory_space<vmem>> -> memref<200x64xf32, #tpu.memory_space<vmem>>
        %dma_wait3A_111 = arith.constant 0 : i32
        %dma_wait3A_112 = arith.constant 0 : i32
        %dma_wait3A_113 = tpu.memref_slice %arg4[%dma_wait3A_111, %dma_wait3A_112] : memref<1000000x64xf32, #tpu.memory_space<hbm>> -> memref<200x64xf32, #tpu.memory_space<hbm>>
        %dma_wait3A_114 = arith.constant 208 : i32
        %dma_wait3A_115 = arith.constant 0 : i32
        %dma_wait3A_116 = tpu.memref_slice %arg8[%dma_wait3A_114, %dma_wait3A_115] : memref<416x64xf32, #tpu.memory_space<vmem>> -> memref<200x64xf32, #tpu.memory_space<vmem>>
        %dma_wait3A_117 = arith.constant 0 : i32
        %dma_wait3A_118 = arith.constant 0 : i32
        %dma_wait3A_119 = tpu.memref_slice %arg4[%dma_wait3A_117, %dma_wait3A_118] : memref<1000000x64xf32, #tpu.memory_space<hbm>> -> memref<200x64xf32, #tpu.memory_space<hbm>>
        tpu.wait_dma2 semaphore(%arg11 : memref<!tpu.dma_semaphore, #tpu.memory_space<semaphore_mem>>) src(%dma_wait3A_119 : memref<200x64xf32, #tpu.memory_space<hbm>>) dst(%dma_wait3A_116 : memref<200x64xf32, #tpu.memory_space<vmem>>)
      } else {
      }
      %mul3A_63 = arith.constant 208 : i32
      %mul3A_64 = arith.muli %rem3A_55, %mul3A_63 : i32
      %get3A = arith.index_cast %scan3A_51 : i32 to index
      %get3A_65 = arith.constant 0 : index
      %get3A_66 = tpu.vector_load %arg7[%get3A, %get3A_65] {strides = array<i32>} : memref<128x64xf32, #tpu.memory_space<vmem>>, vector<16xf32>,
      %get3A_67 = arith.index_cast %scan3A_51 : i32 to index
      %get3A_68 = arith.constant 16 : index
      %get3A_69 = tpu.vector_load %arg7[%get3A_67, %get3A_68] {strides = array<i32>} : memref<128x64xf32, #tpu.memory_space<vmem>>, vector<16xf32>,
      %get3A_70 = arith.index_cast %scan3A_51 : i32 to index
      %get3A_71 = arith.constant 32 : index
      %get3A_72 = tpu.vector_load %arg7[%get3A_70, %get3A_71] {strides = array<i32>} : memref<128x64xf32, #tpu.memory_space<vmem>>, vector<16xf32>,
      %get3A_73 = arith.index_cast %scan3A_51 : i32 to index
      %get3A_74 = arith.constant 48 : index
      %get3A_75 = tpu.vector_load %arg7[%get3A_73, %get3A_74] {strides = array<i32>} : memref<128x64xf32, #tpu.memory_space<vmem>>, vector<16xf32>,
      %eq3A_76 = arith.constant 15 : i32
      %eq3A_77 = vector.broadcast %eq3A_76 : i32 to vector<16xi32>
      %eq3A_78 = arith.cmpi eq, %iota3A, %eq3A_77 : vector<16xi32>
      %broadcast_in_dim3A = arith.constant 0 : i32
      %broadcast_in_dim3A_79 = vector.broadcast %broadcast_in_dim3A : i32 to vector<16xi32>
      %mul3A_80 = arith.constant 200 : i32
      %mul3A_81 = arith.muli %scan3A_51, %mul3A_80 : i32
      %add3A_82 = vector.broadcast %mul3A_81 : i32 to vector<16xi32>
      %add3A_83 = arith.addi %broadcast_in_dim3A_79, %add3A_82 : vector<16xi32>
      %scan3A_84 = arith.constant 0 : i32
      %scan3A_85 = arith.constant 0 : i32
      %scan3A_86 = arith.constant 25 : i32
      %scan3A_87 = arith.addi %scan3A_85, %scan3A_86 : i32
      %scan3A_88 = arith.constant 1 : i32
      scf.for %scan3A_90 = %scan3A_85 to %scan3A_87 step %scan3A_88  : i32 {
        %mul3A_91 = arith.constant 8 : i32
        %mul3A_92 = arith.muli %scan3A_90, %mul3A_91 : i32
        %add3A_93 = arith.addi %mul3A_64, %mul3A_92 : i32
        %add3A_94 = vector.broadcast %mul3A_92 : i32 to vector<16xi32>
        %add3A_95 = arith.addi %add3A_83, %add3A_94 : vector<16xi32>
        %add3A_96 = arith.constant 0 : i32
        %add3A_97 = arith.addi %add3A_93, %add3A_96 : i32
        %get3A_98 = arith.index_cast %add3A_97 : i32 to index
        %get3A_99 = arith.constant 0 : index
        %get3A_100 = tpu.vector_load %arg8[%get3A_98, %get3A_99] {strides = array<i32>} : memref<416x64xf32, #tpu.memory_space<vmem>>, vector<16xf32>,
        %mul3A_101 = arith.mulf %get3A_100, %get3A_66 : vector<16xf32>
        %get3A_102 = arith.index_cast %add3A_97 : i32 to index
        %get3A_103 = arith.constant 16 : index
        %get3A_104 = tpu.vector_load %arg8[%get3A_102, %get3A_103] {strides = array<i32>} : memref<416x64xf32, #tpu.memory_space<vmem>>, vector<16xf32>,
        %mul3A_105 = arith.mulf %get3A_104, %get3A_69 : vector<16xf32>
        %add3A_106 = arith.addf %mul3A_101, %mul3A_105 : vector<16xf32>
        %get3A_107 = arith.index_cast %add3A_97 : i32 to index
        %get3A_108 = arith.constant 32 : index
        %get3A_109 = tpu.vector_load %arg8[%get3A_107, %get3A_108] {strides = array<i32>} : memref<416x64xf32, #tpu.memory_space<vmem>>, vector<16xf32>,
        %mul3A_110 = arith.mulf %get3A_109, %get3A_72 : vector<16xf32>
        %add3A_111 = arith.addf %add3A_106, %mul3A_110 : vector<16xf32>
        %get3A_112 = arith.index_cast %add3A_97 : i32 to index
        %get3A_113 = arith.constant 48 : index
        %get3A_114 = tpu.vector_load %arg8[%get3A_112, %get3A_113] {strides = array<i32>} : memref<416x64xf32, #tpu.memory_space<vmem>>, vector<16xf32>,
        %mul3A_115 = arith.mulf %get3A_114, %get3A_75 : vector<16xf32>
        %add3A_116 = arith.addf %add3A_111, %mul3A_115 : vector<16xf32>
        %add3A_117 = arith.constant 0 : i32
        %add3A_118 = vector.broadcast %add3A_117 : i32 to vector<16xi32>
        %add3A_119 = arith.addi %add3A_95, %add3A_118 : vector<16xi32>
        %lt3A = arith.constant 0 : i32
        %lt3A_120 = vector.broadcast %lt3A : i32 to vector<16xi32>
        %lt3A_121 = arith.cmpi slt, %xor3A_4, %lt3A_120 : vector<16xi32>
        %add3A_122 = arith.constant 16 : i32
        %add3A_123 = vector.broadcast %add3A_122 : i32 to vector<16xi32>
        %add3A_124 = arith.addi %xor3A_4, %add3A_123 : vector<16xi32>
        %select_n3A = arith.select %lt3A_121, %add3A_124, %xor3A_4 : vector<16xi1>, vector<16xi32>
        %broadcast_in_dim3A_125 = vector.shape_cast %select_n3A : vector<16xi32> to vector<16x1xi32>
        %gather3A = vector.shape_cast %broadcast_in_dim3A_125 : vector<16x1xi32> to vector<16xi32>
        %gather3A_126 = tpu.dynamic_gather %add3A_116[%gather3A] in [0] : vector<16xf32>, vector<16xi32> -> vector<16xf32>
        %add3A_127 = arith.addf %add3A_116, %gather3A_126 : vector<16xf32>
        %lt3A_128 = arith.constant 0 : i32
        %lt3A_129 = vector.broadcast %lt3A_128 : i32 to vector<16xi32>
        %lt3A_130 = arith.cmpi slt, %xor3A_7, %lt3A_129 : vector<16xi32>
        %add3A_131 = arith.constant 16 : i32
        %add3A_132 = vector.broadcast %add3A_131 : i32 to vector<16xi32>
        %add3A_133 = arith.addi %xor3A_7, %add3A_132 : vector<16xi32>
        %select_n3A_134 = arith.select %lt3A_130, %add3A_133, %xor3A_7 : vector<16xi1>, vector<16xi32>
        %broadcast_in_dim3A_135 = vector.shape_cast %select_n3A_134 : vector<16xi32> to vector<16x1xi32>
        %gather3A_136 = vector.shape_cast %broadcast_in_dim3A_135 : vector<16x1xi32> to vector<16xi32>
        %gather3A_137 = tpu.dynamic_gather %add3A_127[%gather3A_136] in [0] : vector<16xf32>, vector<16xi32> -> vector<16xf32>
        %add3A_138 = arith.addf %add3A_127, %gather3A_137 : vector<16xf32>
        %lt3A_139 = arith.constant 0 : i32
        %lt3A_140 = vector.broadcast %lt3A_139 : i32 to vector<16xi32>
        %lt3A_141 = arith.cmpi slt, %xor3A_10, %lt3A_140 : vector<16xi32>
        %add3A_142 = arith.constant 16 : i32
        %add3A_143 = vector.broadcast %add3A_142 : i32 to vector<16xi32>
        %add3A_144 = arith.addi %xor3A_10, %add3A_143 : vector<16xi32>
        %select_n3A_145 = arith.select %lt3A_141, %add3A_144, %xor3A_10 : vector<16xi1>, vector<16xi32>
        %broadcast_in_dim3A_146 = vector.shape_cast %select_n3A_145 : vector<16xi32> to vector<16x1xi32>
        %gather3A_147 = vector.shape_cast %broadcast_in_dim3A_146 : vector<16x1xi32> to vector<16xi32>
        %gather3A_148 = tpu.dynamic_gather %add3A_138[%gather3A_147] in [0] : vector<16xf32>, vector<16xi32> -> vector<16xf32>
        %add3A_149 = arith.addf %add3A_138, %gather3A_148 : vector<16xf32>
        %lt3A_150 = arith.constant 0 : i32
        %lt3A_151 = vector.broadcast %lt3A_150 : i32 to vector<16xi32>
        %lt3A_152 = arith.cmpi slt, %xor3A_13, %lt3A_151 : vector<16xi32>
        %add3A_153 = arith.constant 16 : i32
        %add3A_154 = vector.broadcast %add3A_153 : i32 to vector<16xi32>
        %add3A_155 = arith.addi %xor3A_13, %add3A_154 : vector<16xi32>
        %select_n3A_156 = arith.select %lt3A_152, %add3A_155, %xor3A_13 : vector<16xi1>, vector<16xi32>
        %broadcast_in_dim3A_157 = vector.shape_cast %select_n3A_156 : vector<16xi32> to vector<16x1xi32>
        %gather3A_158 = vector.shape_cast %broadcast_in_dim3A_157 : vector<16x1xi32> to vector<16xi32>
        %gather3A_159 = tpu.dynamic_gather %add3A_149[%gather3A_158] in [0] : vector<16xf32>, vector<16xi32> -> vector<16xf32>
        %add3A_160 = arith.addf %add3A_149, %gather3A_159 : vector<16xf32>
        tpu.vector_store_idx %arg9[%add3A_119], %add3A_160 masked %eq3A_78 : memref<25600xf32, #tpu.memory_space<vmem>>[vector<16xi32>], vector<16xf32>, vector<16xi1>
        %add3A_161 = arith.constant 1 : i32
        %add3A_162 = arith.addi %add3A_93, %add3A_161 : i32
        %get3A_163 = arith.index_cast %add3A_162 : i32 to index
        %get3A_164 = arith.constant 0 : index
        %get3A_165 = tpu.vector_load %arg8[%get3A_163, %get3A_164] {strides = array<i32>} : memref<416x64xf32, #tpu.memory_space<vmem>>, vector<16xf32>,
        %mul3A_166 = arith.mulf %get3A_165, %get3A_66 : vector<16xf32>
        %get3A_167 = arith.index_cast %add3A_162 : i32 to index
        %get3A_168 = arith.constant 16 : index
        %get3A_169 = tpu.vector_load %arg8[%get3A_167, %get3A_168] {strides = array<i32>} : memref<416x64xf32, #tpu.memory_space<vmem>>, vector<16xf32>,
        %mul3A_170 = arith.mulf %get3A_169, %get3A_69 : vector<16xf32>
        %add3A_171 = arith.addf %mul3A_166, %mul3A_170 : vector<16xf32>
        %get3A_172 = arith.index_cast %add3A_162 : i32 to index
        %get3A_173 = arith.constant 32 : index
        %get3A_174 = tpu.vector_load %arg8[%get3A_172, %get3A_173] {strides = array<i32>} : memref<416x64xf32, #tpu.memory_space<vmem>>, vector<16xf32>,
        %mul3A_175 = arith.mulf %get3A_174, %get3A_72 : vector<16xf32>
        %add3A_176 = arith.addf %add3A_171, %mul3A_175 : vector<16xf32>
        %get3A_177 = arith.index_cast %add3A_162 : i32 to index
        %get3A_178 = arith.constant 48 : index
        %get3A_179 = tpu.vector_load %arg8[%get3A_177, %get3A_178] {strides = array<i32>} : memref<416x64xf32, #tpu.memory_space<vmem>>, vector<16xf32>,
        %mul3A_180 = arith.mulf %get3A_179, %get3A_75 : vector<16xf32>
        %add3A_181 = arith.addf %add3A_176, %mul3A_180 : vector<16xf32>
        %add3A_182 = arith.constant 1 : i32
        %add3A_183 = vector.broadcast %add3A_182 : i32 to vector<16xi32>
        %add3A_184 = arith.addi %add3A_95, %add3A_183 : vector<16xi32>
        %lt3A_185 = arith.constant 0 : i32
        %lt3A_186 = vector.broadcast %lt3A_185 : i32 to vector<16xi32>
        %lt3A_187 = arith.cmpi slt, %xor3A_4, %lt3A_186 : vector<16xi32>
        %add3A_188 = arith.constant 16 : i32
        %add3A_189 = vector.broadcast %add3A_188 : i32 to vector<16xi32>
        %add3A_190 = arith.addi %xor3A_4, %add3A_189 : vector<16xi32>
        %select_n3A_191 = arith.select %lt3A_187, %add3A_190, %xor3A_4 : vector<16xi1>, vector<16xi32>
        %broadcast_in_dim3A_192 = vector.shape_cast %select_n3A_191 : vector<16xi32> to vector<16x1xi32>
        %gather3A_193 = vector.shape_cast %broadcast_in_dim3A_192 : vector<16x1xi32> to vector<16xi32>
        %gather3A_194 = tpu.dynamic_gather %add3A_181[%gather3A_193] in [0] : vector<16xf32>, vector<16xi32> -> vector<16xf32>
        %add3A_195 = arith.addf %add3A_181, %gather3A_194 : vector<16xf32>
        %lt3A_196 = arith.constant 0 : i32
        %lt3A_197 = vector.broadcast %lt3A_196 : i32 to vector<16xi32>
        %lt3A_198 = arith.cmpi slt, %xor3A_7, %lt3A_197 : vector<16xi32>
        %add3A_199 = arith.constant 16 : i32
        %add3A_200 = vector.broadcast %add3A_199 : i32 to vector<16xi32>
        %add3A_201 = arith.addi %xor3A_7, %add3A_200 : vector<16xi32>
        %select_n3A_202 = arith.select %lt3A_198, %add3A_201, %xor3A_7 : vector<16xi1>, vector<16xi32>
        %broadcast_in_dim3A_203 = vector.shape_cast %select_n3A_202 : vector<16xi32> to vector<16x1xi32>
        %gather3A_204 = vector.shape_cast %broadcast_in_dim3A_203 : vector<16x1xi32> to vector<16xi32>
        %gather3A_205 = tpu.dynamic_gather %add3A_195[%gather3A_204] in [0] : vector<16xf32>, vector<16xi32> -> vector<16xf32>
        %add3A_206 = arith.addf %add3A_195, %gather3A_205 : vector<16xf32>
        %lt3A_207 = arith.constant 0 : i32
        %lt3A_208 = vector.broadcast %lt3A_207 : i32 to vector<16xi32>
        %lt3A_209 = arith.cmpi slt, %xor3A_10, %lt3A_208 : vector<16xi32>
        %add3A_210 = arith.constant 16 : i32
        %add3A_211 = vector.broadcast %add3A_210 : i32 to vector<16xi32>
        %add3A_212 = arith.addi %xor3A_10, %add3A_211 : vector<16xi32>
        %select_n3A_213 = arith.select %lt3A_209, %add3A_212, %xor3A_10 : vector<16xi1>, vector<16xi32>
        %broadcast_in_dim3A_214 = vector.shape_cast %select_n3A_213 : vector<16xi32> to vector<16x1xi32>
        %gather3A_215 = vector.shape_cast %broadcast_in_dim3A_214 : vector<16x1xi32> to vector<16xi32>
        %gather3A_216 = tpu.dynamic_gather %add3A_206[%gather3A_215] in [0] : vector<16xf32>, vector<16xi32> -> vector<16xf32>
        %add3A_217 = arith.addf %add3A_206, %gather3A_216 : vector<16xf32>
        %lt3A_218 = arith.constant 0 : i32
        %lt3A_219 = vector.broadcast %lt3A_218 : i32 to vector<16xi32>
        %lt3A_220 = arith.cmpi slt, %xor3A_13, %lt3A_219 : vector<16xi32>
        %add3A_221 = arith.constant 16 : i32
        %add3A_222 = vector.broadcast %add3A_221 : i32 to vector<16xi32>
        %add3A_223 = arith.addi %xor3A_13, %add3A_222 : vector<16xi32>
        %select_n3A_224 = arith.select %lt3A_220, %add3A_223, %xor3A_13 : vector<16xi1>, vector<16xi32>
        %broadcast_in_dim3A_225 = vector.shape_cast %select_n3A_224 : vector<16xi32> to vector<16x1xi32>
        %gather3A_226 = vector.shape_cast %broadcast_in_dim3A_225 : vector<16x1xi32> to vector<16xi32>
        %gather3A_227 = tpu.dynamic_gather %add3A_217[%gather3A_226] in [0] : vector<16xf32>, vector<16xi32> -> vector<16xf32>
        %add3A_228 = arith.addf %add3A_217, %gather3A_227 : vector<16xf32>
        tpu.vector_store_idx %arg9[%add3A_184], %add3A_228 masked %eq3A_78 : memref<25600xf32, #tpu.memory_space<vmem>>[vector<16xi32>], vector<16xf32>, vector<16xi1>
        %add3A_229 = arith.constant 2 : i32
        %add3A_230 = arith.addi %add3A_93, %add3A_229 : i32
        %get3A_231 = arith.index_cast %add3A_230 : i32 to index
        %get3A_232 = arith.constant 0 : index
        %get3A_233 = tpu.vector_load %arg8[%get3A_231, %get3A_232] {strides = array<i32>} : memref<416x64xf32, #tpu.memory_space<vmem>>, vector<16xf32>,
        %mul3A_234 = arith.mulf %get3A_233, %get3A_66 : vector<16xf32>
        %get3A_235 = arith.index_cast %add3A_230 : i32 to index
        %get3A_236 = arith.constant 16 : index
        %get3A_237 = tpu.vector_load %arg8[%get3A_235, %get3A_236] {strides = array<i32>} : memref<416x64xf32, #tpu.memory_space<vmem>>, vector<16xf32>,
        %mul3A_238 = arith.mulf %get3A_237, %get3A_69 : vector<16xf32>
        %add3A_239 = arith.addf %mul3A_234, %mul3A_238 : vector<16xf32>
        %get3A_240 = arith.index_cast %add3A_230 : i32 to index
        %get3A_241 = arith.constant 32 : index
        %get3A_242 = tpu.vector_load %arg8[%get3A_240, %get3A_241] {strides = array<i32>} : memref<416x64xf32, #tpu.memory_space<vmem>>, vector<16xf32>,
        %mul3A_243 = arith.mulf %get3A_242, %get3A_72 : vector<16xf32>
        %add3A_244 = arith.addf %add3A_239, %mul3A_243 : vector<16xf32>
        %get3A_245 = arith.index_cast %add3A_230 : i32 to index
        %get3A_246 = arith.constant 48 : index
        %get3A_247 = tpu.vector_load %arg8[%get3A_245, %get3A_246] {strides = array<i32>} : memref<416x64xf32, #tpu.memory_space<vmem>>, vector<16xf32>,
        %mul3A_248 = arith.mulf %get3A_247, %get3A_75 : vector<16xf32>
        %add3A_249 = arith.addf %add3A_244, %mul3A_248 : vector<16xf32>
        %add3A_250 = arith.constant 2 : i32
        %add3A_251 = vector.broadcast %add3A_250 : i32 to vector<16xi32>
        %add3A_252 = arith.addi %add3A_95, %add3A_251 : vector<16xi32>
        %lt3A_253 = arith.constant 0 : i32
        %lt3A_254 = vector.broadcast %lt3A_253 : i32 to vector<16xi32>
        %lt3A_255 = arith.cmpi slt, %xor3A_4, %lt3A_254 : vector<16xi32>
        %add3A_256 = arith.constant 16 : i32
        %add3A_257 = vector.broadcast %add3A_256 : i32 to vector<16xi32>
        %add3A_258 = arith.addi %xor3A_4, %add3A_257 : vector<16xi32>
        %select_n3A_259 = arith.select %lt3A_255, %add3A_258, %xor3A_4 : vector<16xi1>, vector<16xi32>
        %broadcast_in_dim3A_260 = vector.shape_cast %select_n3A_259 : vector<16xi32> to vector<16x1xi32>
        %gather3A_261 = vector.shape_cast %broadcast_in_dim3A_260 : vector<16x1xi32> to vector<16xi32>
        %gather3A_262 = tpu.dynamic_gather %add3A_249[%gather3A_261] in [0] : vector<16xf32>, vector<16xi32> -> vector<16xf32>
        %add3A_263 = arith.addf %add3A_249, %gather3A_262 : vector<16xf32>
        %lt3A_264 = arith.constant 0 : i32
        %lt3A_265 = vector.broadcast %lt3A_264 : i32 to vector<16xi32>
        %lt3A_266 = arith.cmpi slt, %xor3A_7, %lt3A_265 : vector<16xi32>
        %add3A_267 = arith.constant 16 : i32
        %add3A_268 = vector.broadcast %add3A_267 : i32 to vector<16xi32>
        %add3A_269 = arith.addi %xor3A_7, %add3A_268 : vector<16xi32>
        %select_n3A_270 = arith.select %lt3A_266, %add3A_269, %xor3A_7 : vector<16xi1>, vector<16xi32>
        %broadcast_in_dim3A_271 = vector.shape_cast %select_n3A_270 : vector<16xi32> to vector<16x1xi32>
        %gather3A_272 = vector.shape_cast %broadcast_in_dim3A_271 : vector<16x1xi32> to vector<16xi32>
        %gather3A_273 = tpu.dynamic_gather %add3A_263[%gather3A_272] in [0] : vector<16xf32>, vector<16xi32> -> vector<16xf32>
        %add3A_274 = arith.addf %add3A_263, %gather3A_273 : vector<16xf32>
        %lt3A_275 = arith.constant 0 : i32
        %lt3A_276 = vector.broadcast %lt3A_275 : i32 to vector<16xi32>
        %lt3A_277 = arith.cmpi slt, %xor3A_10, %lt3A_276 : vector<16xi32>
        %add3A_278 = arith.constant 16 : i32
        %add3A_279 = vector.broadcast %add3A_278 : i32 to vector<16xi32>
        %add3A_280 = arith.addi %xor3A_10, %add3A_279 : vector<16xi32>
        %select_n3A_281 = arith.select %lt3A_277, %add3A_280, %xor3A_10 : vector<16xi1>, vector<16xi32>
        %broadcast_in_dim3A_282 = vector.shape_cast %select_n3A_281 : vector<16xi32> to vector<16x1xi32>
        %gather3A_283 = vector.shape_cast %broadcast_in_dim3A_282 : vector<16x1xi32> to vector<16xi32>
        %gather3A_284 = tpu.dynamic_gather %add3A_274[%gather3A_283] in [0] : vector<16xf32>, vector<16xi32> -> vector<16xf32>
        %add3A_285 = arith.addf %add3A_274, %gather3A_284 : vector<16xf32>
        %lt3A_286 = arith.constant 0 : i32
        %lt3A_287 = vector.broadcast %lt3A_286 : i32 to vector<16xi32>
        %lt3A_288 = arith.cmpi slt, %xor3A_13, %lt3A_287 : vector<16xi32>
        %add3A_289 = arith.constant 16 : i32
        %add3A_290 = vector.broadcast %add3A_289 : i32 to vector<16xi32>
        %add3A_291 = arith.addi %xor3A_13, %add3A_290 : vector<16xi32>
        %select_n3A_292 = arith.select %lt3A_288, %add3A_291, %xor3A_13 : vector<16xi1>, vector<16xi32>
        %broadcast_in_dim3A_293 = vector.shape_cast %select_n3A_292 : vector<16xi32> to vector<16x1xi32>
        %gather3A_294 = vector.shape_cast %broadcast_in_dim3A_293 : vector<16x1xi32> to vector<16xi32>
        %gather3A_295 = tpu.dynamic_gather %add3A_285[%gather3A_294] in [0] : vector<16xf32>, vector<16xi32> -> vector<16xf32>
        %add3A_296 = arith.addf %add3A_285, %gather3A_295 : vector<16xf32>
        tpu.vector_store_idx %arg9[%add3A_252], %add3A_296 masked %eq3A_78 : memref<25600xf32, #tpu.memory_space<vmem>>[vector<16xi32>], vector<16xf32>, vector<16xi1>
        %add3A_297 = arith.constant 3 : i32
        %add3A_298 = arith.addi %add3A_93, %add3A_297 : i32
        %get3A_299 = arith.index_cast %add3A_298 : i32 to index
        %get3A_300 = arith.constant 0 : index
        %get3A_301 = tpu.vector_load %arg8[%get3A_299, %get3A_300] {strides = array<i32>} : memref<416x64xf32, #tpu.memory_space<vmem>>, vector<16xf32>,
        %mul3A_302 = arith.mulf %get3A_301, %get3A_66 : vector<16xf32>
        %get3A_303 = arith.index_cast %add3A_298 : i32 to index
        %get3A_304 = arith.constant 16 : index
        %get3A_305 = tpu.vector_load %arg8[%get3A_303, %get3A_304] {strides = array<i32>} : memref<416x64xf32, #tpu.memory_space<vmem>>, vector<16xf32>,
        %mul3A_306 = arith.mulf %get3A_305, %get3A_69 : vector<16xf32>
        %add3A_307 = arith.addf %mul3A_302, %mul3A_306 : vector<16xf32>
        %get3A_308 = arith.index_cast %add3A_298 : i32 to index
        %get3A_309 = arith.constant 32 : index
        %get3A_310 = tpu.vector_load %arg8[%get3A_308, %get3A_309] {strides = array<i32>} : memref<416x64xf32, #tpu.memory_space<vmem>>, vector<16xf32>,
        %mul3A_311 = arith.mulf %get3A_310, %get3A_72 : vector<16xf32>
        %add3A_312 = arith.addf %add3A_307, %mul3A_311 : vector<16xf32>
        %get3A_313 = arith.index_cast %add3A_298 : i32 to index
        %get3A_314 = arith.constant 48 : index
        %get3A_315 = tpu.vector_load %arg8[%get3A_313, %get3A_314] {strides = array<i32>} : memref<416x64xf32, #tpu.memory_space<vmem>>, vector<16xf32>,
        %mul3A_316 = arith.mulf %get3A_315, %get3A_75 : vector<16xf32>
        %add3A_317 = arith.addf %add3A_312, %mul3A_316 : vector<16xf32>
        %add3A_318 = arith.constant 3 : i32
        %add3A_319 = vector.broadcast %add3A_318 : i32 to vector<16xi32>
        %add3A_320 = arith.addi %add3A_95, %add3A_319 : vector<16xi32>
        %lt3A_321 = arith.constant 0 : i32
        %lt3A_322 = vector.broadcast %lt3A_321 : i32 to vector<16xi32>
        %lt3A_323 = arith.cmpi slt, %xor3A_4, %lt3A_322 : vector<16xi32>
        %add3A_324 = arith.constant 16 : i32
        %add3A_325 = vector.broadcast %add3A_324 : i32 to vector<16xi32>
        %add3A_326 = arith.addi %xor3A_4, %add3A_325 : vector<16xi32>
        %select_n3A_327 = arith.select %lt3A_323, %add3A_326, %xor3A_4 : vector<16xi1>, vector<16xi32>
        %broadcast_in_dim3A_328 = vector.shape_cast %select_n3A_327 : vector<16xi32> to vector<16x1xi32>
        %gather3A_329 = vector.shape_cast %broadcast_in_dim3A_328 : vector<16x1xi32> to vector<16xi32>
        %gather3A_330 = tpu.dynamic_gather %add3A_317[%gather3A_329] in [0] : vector<16xf32>, vector<16xi32> -> vector<16xf32>
        %add3A_331 = arith.addf %add3A_317, %gather3A_330 : vector<16xf32>
        %lt3A_332 = arith.constant 0 : i32
        %lt3A_333 = vector.broadcast %lt3A_332 : i32 to vector<16xi32>
        %lt3A_334 = arith.cmpi slt, %xor3A_7, %lt3A_333 : vector<16xi32>
        %add3A_335 = arith.constant 16 : i32
        %add3A_336 = vector.broadcast %add3A_335 : i32 to vector<16xi32>
        %add3A_337 = arith.addi %xor3A_7, %add3A_336 : vector<16xi32>
        %select_n3A_338 = arith.select %lt3A_334, %add3A_337, %xor3A_7 : vector<16xi1>, vector<16xi32>
        %broadcast_in_dim3A_339 = vector.shape_cast %select_n3A_338 : vector<16xi32> to vector<16x1xi32>
        %gather3A_340 = vector.shape_cast %broadcast_in_dim3A_339 : vector<16x1xi32> to vector<16xi32>
        %gather3A_341 = tpu.dynamic_gather %add3A_331[%gather3A_340] in [0] : vector<16xf32>, vector<16xi32> -> vector<16xf32>
        %add3A_342 = arith.addf %add3A_331, %gather3A_341 : vector<16xf32>
        %lt3A_343 = arith.constant 0 : i32
        %lt3A_344 = vector.broadcast %lt3A_343 : i32 to vector<16xi32>
        %lt3A_345 = arith.cmpi slt, %xor3A_10, %lt3A_344 : vector<16xi32>
        %add3A_346 = arith.constant 16 : i32
        %add3A_347 = vector.broadcast %add3A_346 : i32 to vector<16xi32>
        %add3A_348 = arith.addi %xor3A_10, %add3A_347 : vector<16xi32>
        %select_n3A_349 = arith.select %lt3A_345, %add3A_348, %xor3A_10 : vector<16xi1>, vector<16xi32>
        %broadcast_in_dim3A_350 = vector.shape_cast %select_n3A_349 : vector<16xi32> to vector<16x1xi32>
        %gather3A_351 = vector.shape_cast %broadcast_in_dim3A_350 : vector<16x1xi32> to vector<16xi32>
        %gather3A_352 = tpu.dynamic_gather %add3A_342[%gather3A_351] in [0] : vector<16xf32>, vector<16xi32> -> vector<16xf32>
        %add3A_353 = arith.addf %add3A_342, %gather3A_352 : vector<16xf32>
        %lt3A_354 = arith.constant 0 : i32
        %lt3A_355 = vector.broadcast %lt3A_354 : i32 to vector<16xi32>
        %lt3A_356 = arith.cmpi slt, %xor3A_13, %lt3A_355 : vector<16xi32>
        %add3A_357 = arith.constant 16 : i32
        %add3A_358 = vector.broadcast %add3A_357 : i32 to vector<16xi32>
        %add3A_359 = arith.addi %xor3A_13, %add3A_358 : vector<16xi32>
        %select_n3A_360 = arith.select %lt3A_356, %add3A_359, %xor3A_13 : vector<16xi1>, vector<16xi32>
        %broadcast_in_dim3A_361 = vector.shape_cast %select_n3A_360 : vector<16xi32> to vector<16x1xi32>
        %gather3A_362 = vector.shape_cast %broadcast_in_dim3A_361 : vector<16x1xi32> to vector<16xi32>
        %gather3A_363 = tpu.dynamic_gather %add3A_353[%gather3A_362] in [0] : vector<16xf32>, vector<16xi32> -> vector<16xf32>
        %add3A_364 = arith.addf %add3A_353, %gather3A_363 : vector<16xf32>
        tpu.vector_store_idx %arg9[%add3A_320], %add3A_364 masked %eq3A_78 : memref<25600xf32, #tpu.memory_space<vmem>>[vector<16xi32>], vector<16xf32>, vector<16xi1>
        %add3A_365 = arith.constant 4 : i32
        %add3A_366 = arith.addi %add3A_93, %add3A_365 : i32
        %get3A_367 = arith.index_cast %add3A_366 : i32 to index
        %get3A_368 = arith.constant 0 : index
        %get3A_369 = tpu.vector_load %arg8[%get3A_367, %get3A_368] {strides = array<i32>} : memref<416x64xf32, #tpu.memory_space<vmem>>, vector<16xf32>,
        %mul3A_370 = arith.mulf %get3A_369, %get3A_66 : vector<16xf32>
        %get3A_371 = arith.index_cast %add3A_366 : i32 to index
        %get3A_372 = arith.constant 16 : index
        %get3A_373 = tpu.vector_load %arg8[%get3A_371, %get3A_372] {strides = array<i32>} : memref<416x64xf32, #tpu.memory_space<vmem>>, vector<16xf32>,
        %mul3A_374 = arith.mulf %get3A_373, %get3A_69 : vector<16xf32>
        %add3A_375 = arith.addf %mul3A_370, %mul3A_374 : vector<16xf32>
        %get3A_376 = arith.index_cast %add3A_366 : i32 to index
        %get3A_377 = arith.constant 32 : index
        %get3A_378 = tpu.vector_load %arg8[%get3A_376, %get3A_377] {strides = array<i32>} : memref<416x64xf32, #tpu.memory_space<vmem>>, vector<16xf32>,
        %mul3A_379 = arith.mulf %get3A_378, %get3A_72 : vector<16xf32>
        %add3A_380 = arith.addf %add3A_375, %mul3A_379 : vector<16xf32>
        %get3A_381 = arith.index_cast %add3A_366 : i32 to index
        %get3A_382 = arith.constant 48 : index
        %get3A_383 = tpu.vector_load %arg8[%get3A_381, %get3A_382] {strides = array<i32>} : memref<416x64xf32, #tpu.memory_space<vmem>>, vector<16xf32>,
        %mul3A_384 = arith.mulf %get3A_383, %get3A_75 : vector<16xf32>
        %add3A_385 = arith.addf %add3A_380, %mul3A_384 : vector<16xf32>
        %add3A_386 = arith.constant 4 : i32
        %add3A_387 = vector.broadcast %add3A_386 : i32 to vector<16xi32>
        %add3A_388 = arith.addi %add3A_95, %add3A_387 : vector<16xi32>
        %lt3A_389 = arith.constant 0 : i32
        %lt3A_390 = vector.broadcast %lt3A_389 : i32 to vector<16xi32>
        %lt3A_391 = arith.cmpi slt, %xor3A_4, %lt3A_390 : vector<16xi32>
        %add3A_392 = arith.constant 16 : i32
        %add3A_393 = vector.broadcast %add3A_392 : i32 to vector<16xi32>
        %add3A_394 = arith.addi %xor3A_4, %add3A_393 : vector<16xi32>
        %select_n3A_395 = arith.select %lt3A_391, %add3A_394, %xor3A_4 : vector<16xi1>, vector<16xi32>
        %broadcast_in_dim3A_396 = vector.shape_cast %select_n3A_395 : vector<16xi32> to vector<16x1xi32>
        %gather3A_397 = vector.shape_cast %broadcast_in_dim3A_396 : vector<16x1xi32> to vector<16xi32>
        %gather3A_398 = tpu.dynamic_gather %add3A_385[%gather3A_397] in [0] : vector<16xf32>, vector<16xi32> -> vector<16xf32>
        %add3A_399 = arith.addf %add3A_385, %gather3A_398 : vector<16xf32>
        %lt3A_400 = arith.constant 0 : i32
        %lt3A_401 = vector.broadcast %lt3A_400 : i32 to vector<16xi32>
        %lt3A_402 = arith.cmpi slt, %xor3A_7, %lt3A_401 : vector<16xi32>
        %add3A_403 = arith.constant 16 : i32
        %add3A_404 = vector.broadcast %add3A_403 : i32 to vector<16xi32>
        %add3A_405 = arith.addi %xor3A_7, %add3A_404 : vector<16xi32>
        %select_n3A_406 = arith.select %lt3A_402, %add3A_405, %xor3A_7 : vector<16xi1>, vector<16xi32>
        %broadcast_in_dim3A_407 = vector.shape_cast %select_n3A_406 : vector<16xi32> to vector<16x1xi32>
        %gather3A_408 = vector.shape_cast %broadcast_in_dim3A_407 : vector<16x1xi32> to vector<16xi32>
        %gather3A_409 = tpu.dynamic_gather %add3A_399[%gather3A_408] in [0] : vector<16xf32>, vector<16xi32> -> vector<16xf32>
        %add3A_410 = arith.addf %add3A_399, %gather3A_409 : vector<16xf32>
        %lt3A_411 = arith.constant 0 : i32
        %lt3A_412 = vector.broadcast %lt3A_411 : i32 to vector<16xi32>
        %lt3A_413 = arith.cmpi slt, %xor3A_10, %lt3A_412 : vector<16xi32>
        %add3A_414 = arith.constant 16 : i32
        %add3A_415 = vector.broadcast %add3A_414 : i32 to vector<16xi32>
        %add3A_416 = arith.addi %xor3A_10, %add3A_415 : vector<16xi32>
        %select_n3A_417 = arith.select %lt3A_413, %add3A_416, %xor3A_10 : vector<16xi1>, vector<16xi32>
        %broadcast_in_dim3A_418 = vector.shape_cast %select_n3A_417 : vector<16xi32> to vector<16x1xi32>
        %gather3A_419 = vector.shape_cast %broadcast_in_dim3A_418 : vector<16x1xi32> to vector<16xi32>
        %gather3A_420 = tpu.dynamic_gather %add3A_410[%gather3A_419] in [0] : vector<16xf32>, vector<16xi32> -> vector<16xf32>
        %add3A_421 = arith.addf %add3A_410, %gather3A_420 : vector<16xf32>
        %lt3A_422 = arith.constant 0 : i32
        %lt3A_423 = vector.broadcast %lt3A_422 : i32 to vector<16xi32>
        %lt3A_424 = arith.cmpi slt, %xor3A_13, %lt3A_423 : vector<16xi32>
        %add3A_425 = arith.constant 16 : i32
        %add3A_426 = vector.broadcast %add3A_425 : i32 to vector<16xi32>
        %add3A_427 = arith.addi %xor3A_13, %add3A_426 : vector<16xi32>
        %select_n3A_428 = arith.select %lt3A_424, %add3A_427, %xor3A_13 : vector<16xi1>, vector<16xi32>
        %broadcast_in_dim3A_429 = vector.shape_cast %select_n3A_428 : vector<16xi32> to vector<16x1xi32>
        %gather3A_430 = vector.shape_cast %broadcast_in_dim3A_429 : vector<16x1xi32> to vector<16xi32>
        %gather3A_431 = tpu.dynamic_gather %add3A_421[%gather3A_430] in [0] : vector<16xf32>, vector<16xi32> -> vector<16xf32>
        %add3A_432 = arith.addf %add3A_421, %gather3A_431 : vector<16xf32>
        tpu.vector_store_idx %arg9[%add3A_388], %add3A_432 masked %eq3A_78 : memref<25600xf32, #tpu.memory_space<vmem>>[vector<16xi32>], vector<16xf32>, vector<16xi1>
        %add3A_433 = arith.constant 5 : i32
        %add3A_434 = arith.addi %add3A_93, %add3A_433 : i32
        %get3A_435 = arith.index_cast %add3A_434 : i32 to index
        %get3A_436 = arith.constant 0 : index
        %get3A_437 = tpu.vector_load %arg8[%get3A_435, %get3A_436] {strides = array<i32>} : memref<416x64xf32, #tpu.memory_space<vmem>>, vector<16xf32>,
        %mul3A_438 = arith.mulf %get3A_437, %get3A_66 : vector<16xf32>
        %get3A_439 = arith.index_cast %add3A_434 : i32 to index
        %get3A_440 = arith.constant 16 : index
        %get3A_441 = tpu.vector_load %arg8[%get3A_439, %get3A_440] {strides = array<i32>} : memref<416x64xf32, #tpu.memory_space<vmem>>, vector<16xf32>,
        %mul3A_442 = arith.mulf %get3A_441, %get3A_69 : vector<16xf32>
        %add3A_443 = arith.addf %mul3A_438, %mul3A_442 : vector<16xf32>
        %get3A_444 = arith.index_cast %add3A_434 : i32 to index
        %get3A_445 = arith.constant 32 : index
        %get3A_446 = tpu.vector_load %arg8[%get3A_444, %get3A_445] {strides = array<i32>} : memref<416x64xf32, #tpu.memory_space<vmem>>, vector<16xf32>,
        %mul3A_447 = arith.mulf %get3A_446, %get3A_72 : vector<16xf32>
        %add3A_448 = arith.addf %add3A_443, %mul3A_447 : vector<16xf32>
        %get3A_449 = arith.index_cast %add3A_434 : i32 to index
        %get3A_450 = arith.constant 48 : index
        %get3A_451 = tpu.vector_load %arg8[%get3A_449, %get3A_450] {strides = array<i32>} : memref<416x64xf32, #tpu.memory_space<vmem>>, vector<16xf32>,
        %mul3A_452 = arith.mulf %get3A_451, %get3A_75 : vector<16xf32>
        %add3A_453 = arith.addf %add3A_448, %mul3A_452 : vector<16xf32>
        %add3A_454 = arith.constant 5 : i32
        %add3A_455 = vector.broadcast %add3A_454 : i32 to vector<16xi32>
        %add3A_456 = arith.addi %add3A_95, %add3A_455 : vector<16xi32>
        %lt3A_457 = arith.constant 0 : i32
        %lt3A_458 = vector.broadcast %lt3A_457 : i32 to vector<16xi32>
        %lt3A_459 = arith.cmpi slt, %xor3A_4, %lt3A_458 : vector<16xi32>
        %add3A_460 = arith.constant 16 : i32
        %add3A_461 = vector.broadcast %add3A_460 : i32 to vector<16xi32>
        %add3A_462 = arith.addi %xor3A_4, %add3A_461 : vector<16xi32>
        %select_n3A_463 = arith.select %lt3A_459, %add3A_462, %xor3A_4 : vector<16xi1>, vector<16xi32>
        %broadcast_in_dim3A_464 = vector.shape_cast %select_n3A_463 : vector<16xi32> to vector<16x1xi32>
        %gather3A_465 = vector.shape_cast %broadcast_in_dim3A_464 : vector<16x1xi32> to vector<16xi32>
        %gather3A_466 = tpu.dynamic_gather %add3A_453[%gather3A_465] in [0] : vector<16xf32>, vector<16xi32> -> vector<16xf32>
        %add3A_467 = arith.addf %add3A_453, %gather3A_466 : vector<16xf32>
        %lt3A_468 = arith.constant 0 : i32
        %lt3A_469 = vector.broadcast %lt3A_468 : i32 to vector<16xi32>
        %lt3A_470 = arith.cmpi slt, %xor3A_7, %lt3A_469 : vector<16xi32>
        %add3A_471 = arith.constant 16 : i32
        %add3A_472 = vector.broadcast %add3A_471 : i32 to vector<16xi32>
        %add3A_473 = arith.addi %xor3A_7, %add3A_472 : vector<16xi32>
        %select_n3A_474 = arith.select %lt3A_470, %add3A_473, %xor3A_7 : vector<16xi1>, vector<16xi32>
        %broadcast_in_dim3A_475 = vector.shape_cast %select_n3A_474 : vector<16xi32> to vector<16x1xi32>
        %gather3A_476 = vector.shape_cast %broadcast_in_dim3A_475 : vector<16x1xi32> to vector<16xi32>
        %gather3A_477 = tpu.dynamic_gather %add3A_467[%gather3A_476] in [0] : vector<16xf32>, vector<16xi32> -> vector<16xf32>
        %add3A_478 = arith.addf %add3A_467, %gather3A_477 : vector<16xf32>
        %lt3A_479 = arith.constant 0 : i32
        %lt3A_480 = vector.broadcast %lt3A_479 : i32 to vector<16xi32>
        %lt3A_481 = arith.cmpi slt, %xor3A_10, %lt3A_480 : vector<16xi32>
        %add3A_482 = arith.constant 16 : i32
        %add3A_483 = vector.broadcast %add3A_482 : i32 to vector<16xi32>
        %add3A_484 = arith.addi %xor3A_10, %add3A_483 : vector<16xi32>
        %select_n3A_485 = arith.select %lt3A_481, %add3A_484, %xor3A_10 : vector<16xi1>, vector<16xi32>
        %broadcast_in_dim3A_486 = vector.shape_cast %select_n3A_485 : vector<16xi32> to vector<16x1xi32>
        %gather3A_487 = vector.shape_cast %broadcast_in_dim3A_486 : vector<16x1xi32> to vector<16xi32>
        %gather3A_488 = tpu.dynamic_gather %add3A_478[%gather3A_487] in [0] : vector<16xf32>, vector<16xi32> -> vector<16xf32>
        %add3A_489 = arith.addf %add3A_478, %gather3A_488 : vector<16xf32>
        %lt3A_490 = arith.constant 0 : i32
        %lt3A_491 = vector.broadcast %lt3A_490 : i32 to vector<16xi32>
        %lt3A_492 = arith.cmpi slt, %xor3A_13, %lt3A_491 : vector<16xi32>
        %add3A_493 = arith.constant 16 : i32
        %add3A_494 = vector.broadcast %add3A_493 : i32 to vector<16xi32>
        %add3A_495 = arith.addi %xor3A_13, %add3A_494 : vector<16xi32>
        %select_n3A_496 = arith.select %lt3A_492, %add3A_495, %xor3A_13 : vector<16xi1>, vector<16xi32>
        %broadcast_in_dim3A_497 = vector.shape_cast %select_n3A_496 : vector<16xi32> to vector<16x1xi32>
        %gather3A_498 = vector.shape_cast %broadcast_in_dim3A_497 : vector<16x1xi32> to vector<16xi32>
        %gather3A_499 = tpu.dynamic_gather %add3A_489[%gather3A_498] in [0] : vector<16xf32>, vector<16xi32> -> vector<16xf32>
        %add3A_500 = arith.addf %add3A_489, %gather3A_499 : vector<16xf32>
        tpu.vector_store_idx %arg9[%add3A_456], %add3A_500 masked %eq3A_78 : memref<25600xf32, #tpu.memory_space<vmem>>[vector<16xi32>], vector<16xf32>, vector<16xi1>
        %add3A_501 = arith.constant 6 : i32
        %add3A_502 = arith.addi %add3A_93, %add3A_501 : i32
        %get3A_503 = arith.index_cast %add3A_502 : i32 to index
        %get3A_504 = arith.constant 0 : index
        %get3A_505 = tpu.vector_load %arg8[%get3A_503, %get3A_504] {strides = array<i32>} : memref<416x64xf32, #tpu.memory_space<vmem>>, vector<16xf32>,
        %mul3A_506 = arith.mulf %get3A_505, %get3A_66 : vector<16xf32>
        %get3A_507 = arith.index_cast %add3A_502 : i32 to index
        %get3A_508 = arith.constant 16 : index
        %get3A_509 = tpu.vector_load %arg8[%get3A_507, %get3A_508] {strides = array<i32>} : memref<416x64xf32, #tpu.memory_space<vmem>>, vector<16xf32>,
        %mul3A_510 = arith.mulf %get3A_509, %get3A_69 : vector<16xf32>
        %add3A_511 = arith.addf %mul3A_506, %mul3A_510 : vector<16xf32>
        %get3A_512 = arith.index_cast %add3A_502 : i32 to index
        %get3A_513 = arith.constant 32 : index
        %get3A_514 = tpu.vector_load %arg8[%get3A_512, %get3A_513] {strides = array<i32>} : memref<416x64xf32, #tpu.memory_space<vmem>>, vector<16xf32>,
        %mul3A_515 = arith.mulf %get3A_514, %get3A_72 : vector<16xf32>
        %add3A_516 = arith.addf %add3A_511, %mul3A_515 : vector<16xf32>
        %get3A_517 = arith.index_cast %add3A_502 : i32 to index
        %get3A_518 = arith.constant 48 : index
        %get3A_519 = tpu.vector_load %arg8[%get3A_517, %get3A_518] {strides = array<i32>} : memref<416x64xf32, #tpu.memory_space<vmem>>, vector<16xf32>,
        %mul3A_520 = arith.mulf %get3A_519, %get3A_75 : vector<16xf32>
        %add3A_521 = arith.addf %add3A_516, %mul3A_520 : vector<16xf32>
        %add3A_522 = arith.constant 6 : i32
        %add3A_523 = vector.broadcast %add3A_522 : i32 to vector<16xi32>
        %add3A_524 = arith.addi %add3A_95, %add3A_523 : vector<16xi32>
        %lt3A_525 = arith.constant 0 : i32
        %lt3A_526 = vector.broadcast %lt3A_525 : i32 to vector<16xi32>
        %lt3A_527 = arith.cmpi slt, %xor3A_4, %lt3A_526 : vector<16xi32>
        %add3A_528 = arith.constant 16 : i32
        %add3A_529 = vector.broadcast %add3A_528 : i32 to vector<16xi32>
        %add3A_530 = arith.addi %xor3A_4, %add3A_529 : vector<16xi32>
        %select_n3A_531 = arith.select %lt3A_527, %add3A_530, %xor3A_4 : vector<16xi1>, vector<16xi32>
        %broadcast_in_dim3A_532 = vector.shape_cast %select_n3A_531 : vector<16xi32> to vector<16x1xi32>
        %gather3A_533 = vector.shape_cast %broadcast_in_dim3A_532 : vector<16x1xi32> to vector<16xi32>
        %gather3A_534 = tpu.dynamic_gather %add3A_521[%gather3A_533] in [0] : vector<16xf32>, vector<16xi32> -> vector<16xf32>
        %add3A_535 = arith.addf %add3A_521, %gather3A_534 : vector<16xf32>
        %lt3A_536 = arith.constant 0 : i32
        %lt3A_537 = vector.broadcast %lt3A_536 : i32 to vector<16xi32>
        %lt3A_538 = arith.cmpi slt, %xor3A_7, %lt3A_537 : vector<16xi32>
        %add3A_539 = arith.constant 16 : i32
        %add3A_540 = vector.broadcast %add3A_539 : i32 to vector<16xi32>
        %add3A_541 = arith.addi %xor3A_7, %add3A_540 : vector<16xi32>
        %select_n3A_542 = arith.select %lt3A_538, %add3A_541, %xor3A_7 : vector<16xi1>, vector<16xi32>
        %broadcast_in_dim3A_543 = vector.shape_cast %select_n3A_542 : vector<16xi32> to vector<16x1xi32>
        %gather3A_544 = vector.shape_cast %broadcast_in_dim3A_543 : vector<16x1xi32> to vector<16xi32>
        %gather3A_545 = tpu.dynamic_gather %add3A_535[%gather3A_544] in [0] : vector<16xf32>, vector<16xi32> -> vector<16xf32>
        %add3A_546 = arith.addf %add3A_535, %gather3A_545 : vector<16xf32>
        %lt3A_547 = arith.constant 0 : i32
        %lt3A_548 = vector.broadcast %lt3A_547 : i32 to vector<16xi32>
        %lt3A_549 = arith.cmpi slt, %xor3A_10, %lt3A_548 : vector<16xi32>
        %add3A_550 = arith.constant 16 : i32
        %add3A_551 = vector.broadcast %add3A_550 : i32 to vector<16xi32>
        %add3A_552 = arith.addi %xor3A_10, %add3A_551 : vector<16xi32>
        %select_n3A_553 = arith.select %lt3A_549, %add3A_552, %xor3A_10 : vector<16xi1>, vector<16xi32>
        %broadcast_in_dim3A_554 = vector.shape_cast %select_n3A_553 : vector<16xi32> to vector<16x1xi32>
        %gather3A_555 = vector.shape_cast %broadcast_in_dim3A_554 : vector<16x1xi32> to vector<16xi32>
        %gather3A_556 = tpu.dynamic_gather %add3A_546[%gather3A_555] in [0] : vector<16xf32>, vector<16xi32> -> vector<16xf32>
        %add3A_557 = arith.addf %add3A_546, %gather3A_556 : vector<16xf32>
        %lt3A_558 = arith.constant 0 : i32
        %lt3A_559 = vector.broadcast %lt3A_558 : i32 to vector<16xi32>
        %lt3A_560 = arith.cmpi slt, %xor3A_13, %lt3A_559 : vector<16xi32>
        %add3A_561 = arith.constant 16 : i32
        %add3A_562 = vector.broadcast %add3A_561 : i32 to vector<16xi32>
        %add3A_563 = arith.addi %xor3A_13, %add3A_562 : vector<16xi32>
        %select_n3A_564 = arith.select %lt3A_560, %add3A_563, %xor3A_13 : vector<16xi1>, vector<16xi32>
        %broadcast_in_dim3A_565 = vector.shape_cast %select_n3A_564 : vector<16xi32> to vector<16x1xi32>
        %gather3A_566 = vector.shape_cast %broadcast_in_dim3A_565 : vector<16x1xi32> to vector<16xi32>
        %gather3A_567 = tpu.dynamic_gather %add3A_557[%gather3A_566] in [0] : vector<16xf32>, vector<16xi32> -> vector<16xf32>
        %add3A_568 = arith.addf %add3A_557, %gather3A_567 : vector<16xf32>
        tpu.vector_store_idx %arg9[%add3A_524], %add3A_568 masked %eq3A_78 : memref<25600xf32, #tpu.memory_space<vmem>>[vector<16xi32>], vector<16xf32>, vector<16xi1>
        %add3A_569 = arith.constant 7 : i32
        %add3A_570 = arith.addi %add3A_93, %add3A_569 : i32
        %get3A_571 = arith.index_cast %add3A_570 : i32 to index
        %get3A_572 = arith.constant 0 : index
        %get3A_573 = tpu.vector_load %arg8[%get3A_571, %get3A_572] {strides = array<i32>} : memref<416x64xf32, #tpu.memory_space<vmem>>, vector<16xf32>,
        %mul3A_574 = arith.mulf %get3A_573, %get3A_66 : vector<16xf32>
        %get3A_575 = arith.index_cast %add3A_570 : i32 to index
        %get3A_576 = arith.constant 16 : index
        %get3A_577 = tpu.vector_load %arg8[%get3A_575, %get3A_576] {strides = array<i32>} : memref<416x64xf32, #tpu.memory_space<vmem>>, vector<16xf32>,
        %mul3A_578 = arith.mulf %get3A_577, %get3A_69 : vector<16xf32>
        %add3A_579 = arith.addf %mul3A_574, %mul3A_578 : vector<16xf32>
        %get3A_580 = arith.index_cast %add3A_570 : i32 to index
        %get3A_581 = arith.constant 32 : index
        %get3A_582 = tpu.vector_load %arg8[%get3A_580, %get3A_581] {strides = array<i32>} : memref<416x64xf32, #tpu.memory_space<vmem>>, vector<16xf32>,
        %mul3A_583 = arith.mulf %get3A_582, %get3A_72 : vector<16xf32>
        %add3A_584 = arith.addf %add3A_579, %mul3A_583 : vector<16xf32>
        %get3A_585 = arith.index_cast %add3A_570 : i32 to index
        %get3A_586 = arith.constant 48 : index
        %get3A_587 = tpu.vector_load %arg8[%get3A_585, %get3A_586] {strides = array<i32>} : memref<416x64xf32, #tpu.memory_space<vmem>>, vector<16xf32>,
        %mul3A_588 = arith.mulf %get3A_587, %get3A_75 : vector<16xf32>
        %add3A_589 = arith.addf %add3A_584, %mul3A_588 : vector<16xf32>
        %add3A_590 = arith.constant 7 : i32
        %add3A_591 = vector.broadcast %add3A_590 : i32 to vector<16xi32>
        %add3A_592 = arith.addi %add3A_95, %add3A_591 : vector<16xi32>
        %lt3A_593 = arith.constant 0 : i32
        %lt3A_594 = vector.broadcast %lt3A_593 : i32 to vector<16xi32>
        %lt3A_595 = arith.cmpi slt, %xor3A_4, %lt3A_594 : vector<16xi32>
        %add3A_596 = arith.constant 16 : i32
        %add3A_597 = vector.broadcast %add3A_596 : i32 to vector<16xi32>
        %add3A_598 = arith.addi %xor3A_4, %add3A_597 : vector<16xi32>
        %select_n3A_599 = arith.select %lt3A_595, %add3A_598, %xor3A_4 : vector<16xi1>, vector<16xi32>
        %broadcast_in_dim3A_600 = vector.shape_cast %select_n3A_599 : vector<16xi32> to vector<16x1xi32>
        %gather3A_601 = vector.shape_cast %broadcast_in_dim3A_600 : vector<16x1xi32> to vector<16xi32>
        %gather3A_602 = tpu.dynamic_gather %add3A_589[%gather3A_601] in [0] : vector<16xf32>, vector<16xi32> -> vector<16xf32>
        %add3A_603 = arith.addf %add3A_589, %gather3A_602 : vector<16xf32>
        %lt3A_604 = arith.constant 0 : i32
        %lt3A_605 = vector.broadcast %lt3A_604 : i32 to vector<16xi32>
        %lt3A_606 = arith.cmpi slt, %xor3A_7, %lt3A_605 : vector<16xi32>
        %add3A_607 = arith.constant 16 : i32
        %add3A_608 = vector.broadcast %add3A_607 : i32 to vector<16xi32>
        %add3A_609 = arith.addi %xor3A_7, %add3A_608 : vector<16xi32>
        %select_n3A_610 = arith.select %lt3A_606, %add3A_609, %xor3A_7 : vector<16xi1>, vector<16xi32>
        %broadcast_in_dim3A_611 = vector.shape_cast %select_n3A_610 : vector<16xi32> to vector<16x1xi32>
        %gather3A_612 = vector.shape_cast %broadcast_in_dim3A_611 : vector<16x1xi32> to vector<16xi32>
        %gather3A_613 = tpu.dynamic_gather %add3A_603[%gather3A_612] in [0] : vector<16xf32>, vector<16xi32> -> vector<16xf32>
        %add3A_614 = arith.addf %add3A_603, %gather3A_613 : vector<16xf32>
        %lt3A_615 = arith.constant 0 : i32
        %lt3A_616 = vector.broadcast %lt3A_615 : i32 to vector<16xi32>
        %lt3A_617 = arith.cmpi slt, %xor3A_10, %lt3A_616 : vector<16xi32>
        %add3A_618 = arith.constant 16 : i32
        %add3A_619 = vector.broadcast %add3A_618 : i32 to vector<16xi32>
        %add3A_620 = arith.addi %xor3A_10, %add3A_619 : vector<16xi32>
        %select_n3A_621 = arith.select %lt3A_617, %add3A_620, %xor3A_10 : vector<16xi1>, vector<16xi32>
        %broadcast_in_dim3A_622 = vector.shape_cast %select_n3A_621 : vector<16xi32> to vector<16x1xi32>
        %gather3A_623 = vector.shape_cast %broadcast_in_dim3A_622 : vector<16x1xi32> to vector<16xi32>
        %gather3A_624 = tpu.dynamic_gather %add3A_614[%gather3A_623] in [0] : vector<16xf32>, vector<16xi32> -> vector<16xf32>
        %add3A_625 = arith.addf %add3A_614, %gather3A_624 : vector<16xf32>
        %lt3A_626 = arith.constant 0 : i32
        %lt3A_627 = vector.broadcast %lt3A_626 : i32 to vector<16xi32>
        %lt3A_628 = arith.cmpi slt, %xor3A_13, %lt3A_627 : vector<16xi32>
        %add3A_629 = arith.constant 16 : i32
        %add3A_630 = vector.broadcast %add3A_629 : i32 to vector<16xi32>
        %add3A_631 = arith.addi %xor3A_13, %add3A_630 : vector<16xi32>
        %select_n3A_632 = arith.select %lt3A_628, %add3A_631, %xor3A_13 : vector<16xi1>, vector<16xi32>
        %broadcast_in_dim3A_633 = vector.shape_cast %select_n3A_632 : vector<16xi32> to vector<16x1xi32>
        %gather3A_634 = vector.shape_cast %broadcast_in_dim3A_633 : vector<16x1xi32> to vector<16xi32>
        %gather3A_635 = tpu.dynamic_gather %add3A_625[%gather3A_634] in [0] : vector<16xf32>, vector<16xi32> -> vector<16xf32>
        %add3A_636 = arith.addf %add3A_625, %gather3A_635 : vector<16xf32>
        tpu.vector_store_idx %arg9[%add3A_592], %add3A_636 masked %eq3A_78 : memref<25600xf32, #tpu.memory_space<vmem>>[vector<16xi32>], vector<16xf32>, vector<16xi1>
      }
      %scan3A_89 = arith.constant 25 : i32
    }
    %scan3A_37 = arith.constant 128 : i32
    %dma_wait3A = arith.constant 0 : i32
    %dma_wait3A_38 = arith.constant 0 : i32
    %dma_wait3A_39 = tpu.memref_slice %arg8[%dma_wait3A, %dma_wait3A_38] : memref<416x64xf32, #tpu.memory_space<vmem>> -> memref<200x64xf32, #tpu.memory_space<vmem>>
    %dma_wait3A_40 = arith.constant 0 : i32
    %dma_wait3A_41 = arith.constant 0 : i32
    %dma_wait3A_42 = tpu.memref_slice %arg4[%dma_wait3A_40, %dma_wait3A_41] : memref<1000000x64xf32, #tpu.memory_space<hbm>> -> memref<200x64xf32, #tpu.memory_space<hbm>>
    %dma_wait3A_43 = arith.constant 0 : i32
    %dma_wait3A_44 = arith.constant 0 : i32
    %dma_wait3A_45 = tpu.memref_slice %arg8[%dma_wait3A_43, %dma_wait3A_44] : memref<416x64xf32, #tpu.memory_space<vmem>> -> memref<200x64xf32, #tpu.memory_space<vmem>>
    %dma_wait3A_46 = arith.constant 0 : i32
    %dma_wait3A_47 = arith.constant 0 : i32
    %dma_wait3A_48 = tpu.memref_slice %arg4[%dma_wait3A_46, %dma_wait3A_47] : memref<1000000x64xf32, #tpu.memory_space<hbm>> -> memref<200x64xf32, #tpu.memory_space<hbm>>
    tpu.wait_dma2 semaphore(%arg10 : memref<!tpu.dma_semaphore, #tpu.memory_space<semaphore_mem>>) src(%dma_wait3A_48 : memref<200x64xf32, #tpu.memory_space<hbm>>) dst(%dma_wait3A_45 : memref<200x64xf32, #tpu.memory_space<vmem>>)
    %mul3A_49 = arith.constant 200 : i32
    %mul3A_50 = arith.muli %mul3A_2, %mul3A_49 : i32
    "tpu.region"() ({
      %run_scoped3A = tpu.sem_alloc : memref<!tpu.dma_semaphore, #tpu.memory_space<semaphore_mem>>
      %dma_start3A_51 = arith.constant 0 : i32
      %dma_start3A_52 = tpu.memref_slice %arg9[%dma_start3A_51] : memref<25600xf32, #tpu.memory_space<vmem>> -> memref<25600xf32, #tpu.memory_space<vmem>>
      %dma_start3A_53 = tpu.memref_slice %arg5[%mul3A_50] : memref<819200xf32, #tpu.memory_space<hbm>> -> memref<25600xf32, #tpu.memory_space<hbm>>
      %dma_start3A_54 = tpu.memref_slice %arg5[%mul3A_50] : memref<819200xf32, #tpu.memory_space<hbm>> -> memref<25600xf32, #tpu.memory_space<hbm>>
      %dma_start3A_55 = arith.constant 0 : i32
      %dma_start3A_56 = tpu.memref_slice %arg9[%dma_start3A_55] : memref<25600xf32, #tpu.memory_space<vmem>> -> memref<25600xf32, #tpu.memory_space<vmem>>
      tpu.enqueue_dma source(%dma_start3A_56 : memref<25600xf32, #tpu.memory_space<vmem>>) target(%dma_start3A_54 : memref<25600xf32, #tpu.memory_space<hbm>>) target_semaphore(%run_scoped3A : memref<!tpu.dma_semaphore, #tpu.memory_space<semaphore_mem>>)
      %dma_wait3A_57 = arith.constant 0 : i32
      %dma_wait3A_58 = tpu.memref_slice %arg9[%dma_wait3A_57] : memref<25600xf32, #tpu.memory_space<vmem>> -> memref<25600xf32, #tpu.memory_space<vmem>>
      %dma_wait3A_59 = tpu.memref_slice %arg5[%mul3A_50] : memref<819200xf32, #tpu.memory_space<hbm>> -> memref<25600xf32, #tpu.memory_space<hbm>>
      %dma_wait3A_60 = tpu.memref_slice %arg5[%mul3A_50] : memref<819200xf32, #tpu.memory_space<hbm>> -> memref<25600xf32, #tpu.memory_space<hbm>>
      %dma_wait3A_61 = arith.constant 0 : i32
      %dma_wait3A_62 = tpu.memref_slice %arg9[%dma_wait3A_61] : memref<25600xf32, #tpu.memory_space<vmem>> -> memref<25600xf32, #tpu.memory_space<vmem>>
      tpu.wait_dma2 semaphore(%run_scoped3A : memref<!tpu.dma_semaphore, #tpu.memory_space<semaphore_mem>>) src(%dma_wait3A_62 : memref<25600xf32, #tpu.memory_space<vmem>>) dst(%dma_wait3A_60 : memref<25600xf32, #tpu.memory_space<hbm>>)
      tpu.yield
    }) : () -> ()
    return
  }
}

module attributes {stable_mosaic.version = 14 : i64} {
  func.func @_q_body(%arg0: i32, %arg1: memref<512x128xf32, #tpu.memory_space<vmem>>, %arg2: memref<512x128xf32, #tpu.memory_space<vmem>>, %arg3: memref<1x512xf32, #tpu.memory_space<vmem>>, %arg4: memref<64x512xf32, #tpu.memory_space<vmem>>, %arg5: memref<512x64xf32, #tpu.memory_space<vmem>>) attributes {dimension_semantics = [#tpu.dimension_semantics<arbitrary>], iteration_bounds = array<i64: 8>, scalar_prefetch = 0 : i64, scratch_operands = 0 : i64, tpu.core_type = #tpu.core_type<tc>, window_params = [{transform_indices = @transform_0, window_bounds = array<i64: 512, 128>}, {pipeline_mode = #tpu.pipeline_mode<synchronous>, transform_indices = @transform_1, window_bounds = array<i64: 512, 128>}, {pipeline_mode = #tpu.pipeline_mode<synchronous>, transform_indices = @transform_2, window_bounds = array<i64: 1, 512>}, {pipeline_mode = #tpu.pipeline_mode<synchronous>, transform_indices = @transform_3, window_bounds = array<i64: 64, 512>}, {transform_indices = @transform_4, window_bounds = array<i64: 512, 64>}]} {
    %get3A = arith.constant 0 : index
    %get3A_0 = arith.constant 0 : index
    %get3A_1 = vector.load %arg1[%get3A, %get3A_0] : memref<512x128xf32, #tpu.memory_space<vmem>>, vector<512x128xf32>
    %get3A_2 = arith.constant 0 : index
    %get3A_3 = arith.constant 0 : index
    %get3A_4 = vector.load %arg2[%get3A_2, %get3A_3] : memref<512x128xf32, #tpu.memory_space<vmem>>, vector<512x128xf32>
    %dot_general3A = arith.constant dense<0.000000e+00> : vector<512x512xf32>
    %dot_general3A_5 = tpu.matmul %get3A_1, %get3A_4, %dot_general3A {dimension_numbers = #tpu.dot_dimension_numbers<[1], [1], [0], [0], [0, 0, 1, 0], [], []>, transpose_lhs_hint = false} : vector<512x128xf32>, vector<512x128xf32>, vector<512x512xf32> -> vector<512x512xf32>
    %get3A_6 = arith.constant 0 : index
    %get3A_7 = arith.constant 0 : index
    %get3A_8 = vector.load %arg3[%get3A_6, %get3A_7] : memref<1x512xf32, #tpu.memory_space<vmem>>, vector<1x512xf32>
    %add3A = vector.broadcast %get3A_8 : vector<1x512xf32> to vector<512x512xf32>
    %add3A_9 = arith.addf %dot_general3A_5, %add3A : vector<512x512xf32>
    %mul3A = arith.constant 5.000000e-01 : f32
    %mul3A_10 = vector.broadcast %mul3A : f32 to vector<512x512xf32>
    %mul3A_11 = arith.mulf %mul3A_10, %add3A_9 : vector<512x512xf32>
    %mul3A_12 = arith.constant 0.707106769 : f32
    %mul3A_13 = vector.broadcast %mul3A_12 : f32 to vector<512x512xf32>
    %mul3A_14 = arith.mulf %add3A_9, %mul3A_13 : vector<512x512xf32>
    %erf3A = math.erf %mul3A_14 : vector<512x512xf32>
    %add3A_15 = arith.constant 1.000000e+00 : f32
    %add3A_16 = vector.broadcast %add3A_15 : f32 to vector<512x512xf32>
    %add3A_17 = arith.addf %add3A_16, %erf3A : vector<512x512xf32>
    %mul3A_18 = arith.mulf %mul3A_11, %add3A_17 : vector<512x512xf32>
    %get3A_19 = arith.constant 0 : index
    %get3A_20 = arith.constant 0 : index
    %get3A_21 = vector.load %arg4[%get3A_19, %get3A_20] : memref<64x512xf32, #tpu.memory_space<vmem>>, vector<64x512xf32>
    %dot_general3A_22 = arith.constant dense<0.000000e+00> : vector<512x64xf32>
    %dot_general3A_23 = tpu.matmul %mul3A_18, %get3A_21, %dot_general3A_22 {dimension_numbers = #tpu.dot_dimension_numbers<[1], [1], [0], [0], [0, 0, 1, 0], [], []>, transpose_lhs_hint = false} : vector<512x512xf32>, vector<64x512xf32>, vector<512x64xf32> -> vector<512x64xf32>
    %swap3A = arith.constant 0 : index
    %swap3A_24 = arith.constant 0 : index
    %swap3A_25 = vector.load %arg5[%swap3A, %swap3A_24] : memref<512x64xf32, #tpu.memory_space<vmem>>, vector<512x64xf32>
    tpu.vector_store %arg5[%swap3A, %swap3A_24], %dot_general3A_23 {strides = array<i32>} : memref<512x64xf32, #tpu.memory_space<vmem>>, vector<512x64xf32>,
    return
  }
  func.func @transform_0(%arg0: i32) -> (i32, i32) {
    %c0_i32 = arith.constant 0 : i32
    %c0_i32_0 = arith.constant 0 : i32
    return %arg0, %c0_i32 : i32, i32
  }
  func.func @transform_1(%arg0: i32) -> (i32, i32) {
    %c0_i32 = arith.constant 0 : i32
    %c0_i32_0 = arith.constant 0 : i32
    %c0_i32_1 = arith.constant 0 : i32
    return %c0_i32, %c0_i32_0 : i32, i32
  }
  func.func @transform_2(%arg0: i32) -> (i32, i32) {
    %c0_i32 = arith.constant 0 : i32
    %c0_i32_0 = arith.constant 0 : i32
    %c0_i32_1 = arith.constant 0 : i32
    return %c0_i32, %c0_i32_0 : i32, i32
  }
  func.func @transform_3(%arg0: i32) -> (i32, i32) {
    %c0_i32 = arith.constant 0 : i32
    %c0_i32_0 = arith.constant 0 : i32
    %c0_i32_1 = arith.constant 0 : i32
    return %c0_i32, %c0_i32_0 : i32, i32
  }
  func.func @transform_4(%arg0: i32) -> (i32, i32) {
    %c0_i32 = arith.constant 0 : i32
    %c0_i32_0 = arith.constant 0 : i32
    return %arg0, %c0_i32 : i32, i32
  }
}

</mosaic_0001>

<sc_bundles>
// kernel: kernel.4.cloned.1.call-start
scs
__scs_entry_jumppad:
0x0: {  	(pc) =	sbr.rel $0x88, $3  }
0x1: {  	(tag) =	ssettag $0x0;
	lr =	simm.s32 $0x1  }
0x2: {  	[smem:$0x3F9B] =	sst lr;
	_ =	strace $0xD0000000  }
0x3: {  	_ = 	snop  }
0x4: {  	_ = 	snop  }
0x5: {  	_ = 	snop  }
0x6: {  	_ = 	snop  }
0x7: {  	_ = 	snop  }
__scs_overlays_trampoline_lowered:
0x8: {  	[smem:$0x3FAA] =	sst s0  }
0x9: {  	[smem:$0x3FAB] =	sst s1  }
0xa: {  	[smem:$0x3FAC] =	sst s2  }
0xb: {  	[smem:$0x3FAD] =	sst s3  }
0xc: {  	[smem:$0x3FAE] =	sst s4  }
0xd: {  	[smem:$0x3FAF] =	sst s5  }
0xe: {  	[smem:$0x3FB0] =	sst s6  }
0xf: {  	[smem:$0x3FB1] =	sst s7  }
0x10: {  	[smem:$0x3FB2] =	sst s8  }
0x11: {  	[smem:$0x3FB3] =	sst s9;
	s0 =	simm.s32 @!p0 $0x0  }
0x12: {  	s1 =	sld [smem:$0x3F99];
	s0 =	simm.s32 @p0 $0x1  }
0x13: {  	[smem:$0x3FB4] =	sst s0;
	s0 =	simm.s32 @!p1 $0x0  }
0x14: {  	s2 =	sld [smem:$0x3F98];
	s0 =	simm.s32 @p1 $0x1  }
0x15: {  	[smem:$0x3FB5] =	sst s0;
	s0 =	simm.s32 @!p2 $0x0  }
0x16: {  	s3 =	sld [smem:$0x3FDB];
	s0 =	simm.s32 @p2 $0x1  }
0x17: {  	s4 =	simm.s32 $0x1BF5;
	[smem:$0x3FB7] =	sst s0  }
0x18: {  	s0 =	sld [smem:$0x3F9A];
	_ =	swait.ge [sflag:s4], $0x0  }
0x19: {  	s7 =	sld [smem:$0x3F9B]  }
0x1a: {  	s8 =	sadd.s32 $0xFFFFE003, lr  }
0x1b: {  	s9 =	sadd.s32 $0xFFFFFEF7, lr;
	s5 =	simm.s32 $0xFFFFFFFF;
	p2 =	slt.u32 s8, $0xFFFFF086  }
0x1c: {  	p1 =	slt.u32 s9, $0xF7A;
	s5 =	simm.s32 @!p2 $0x0  }
0x1d: {  	s5 =	simm.s32 @p1 $0x1;
	p0 =	seq.s32 s7, s2  }
0x1e: {  	s7 =	smul.u32 @!p0 $0xF7A, s2;
	p2 =	seq.s32 @!p0 s5, $0x0  }
0x1f: {  	s9 =	smul.u32 $0xF7A, s1;
	s8 =	simm.s32 @!p0 $0x1BF5;
	p2 =	por !p2, p0  }
0x20: {  	[sflag:s8] =	ssyncset.s32 @!p0 $0xFFFFF086;
	s6 =	sadd.s32 @!p0 s3, s7;
	s7 =	simm.s32 @!p0 $0x108  }
0x21: {  	s3 =	sadd.s32 s3, s9;
	s6 =	sadd.s32 @!p0 $0x88, s6;
	s7 =	simm.s32 @p2 $0x1082  }
0x22: {  	[simem:s7], [sflag:s8] =	dma.local @!p0 [hbm:s6], $0xF7A  }
0x23: {  	s9 =	sor.u32 $0xD0000000, s2;
	s6 =	simm.s32 $0x108;
	_ =	swait.ge @!p0 [sflag:s8], $0x0  }
0x24: {  	s3 =	sadd.s32 $0x88, s3;
	s6 =	simm.s32 @!p1 $0x1082;
	[sflag:s4] =	ssyncset.s32 $0xFFFFF086  }
0x25: {  	[simem:s6], [sflag:s4] =	dma.local [hbm:s3], $0xF7A  }
0x26: {  	[smem:$0x3F9B] =	sst s1;
	(tag) =	ssettag s2;
	_ =	strace s9  }
0x27: {  	s1 =	sld [smem:$0x3FAB]  }
0x28: {  	s2 =	sld [smem:$0x3FAC]  }
0x29: {  	s4 =	sld [smem:$0x3FAE]  }
0x2a: {  	p0 =	seq.s32 s5, $0x0;
	s5 =	sld [smem:$0x3FAF]  }
0x2b: {  	s6 =	sld [smem:$0x3FB0]  }
0x2c: {  	s7 =	sld [smem:$0x3FB1]  }
0x2d: {  	s3 =	simm.s32 $0x108;
	s8 =	sld [smem:$0x3FB2]  }
0x2e: {  	s3 =	simm.s32 @!p0 $0x1082;
	s9 =	sld [smem:$0x3FB3]  }
0x2f: {  	lr =	sadd.s32 s0, s3;
	s0 =	sld [smem:$0x3FAA]  }
0x30: {  	s3 =	sld [smem:$0x3FAD]  }
0x31: {  	[smem:$0x3FB6] =	sst s10  }
0x32: {  	s10 =	sld [smem:$0x3FB4];
	_ =	sdelay $0x3  }
0x33: {  	p0 =	seq.s32 s10, $0x1;
	s10 =	sld [smem:$0x3FB6];
	_ =	sdelay $0x3  }
0x34: {  	[smem:$0x3FB6] =	sst s10  }
0x35: {  	s10 =	sld [smem:$0x3FB5];
	_ =	sdelay $0x3  }
0x36: {  	p1 =	seq.s32 s10, $0x1;
	s10 =	sld [smem:$0x3FB6];
	_ =	sdelay $0x3  }
0x37: {  	[smem:$0x3FB6] =	sst s10  }
0x38: {  	s10 =	sld [smem:$0x3FB7]  }
0x39: {  	_ = 	snop;
	(pc) =	sbr.ind lr, $3  }
0x3a: {  	_ = 	snop  }
0x3b: {  	_ = 	snop  }
0x3c: {  	p2 =	seq.s32 s10, $0x1;
	s10 =	sld [smem:$0x3FB6]  }
0x3d: {  	_ =	shalt  }
0x3e: {  	_ =	shalt  }
0x3f: {  	_ =	shalt  }
0x40: {  	_ =	shalt  }
0x41: {  	_ =	shalt  }
0x42: {  	_ =	shalt  }
0x43: {  	_ =	shalt  }
0x44: {  	_ =	shalt  }
0x45: {  	_ =	shalt  }
0x46: {  	_ =	shalt  }
0x47: {  	_ =	shalt  }
0x48: {  	_ =	shalt  }
0x49: {  	_ =	shalt  }
0x4a: {  	_ =	shalt  }
0x4b: {  	_ =	shalt  }
0x4c: {  	_ =	shalt  }
0x4d: {  	_ =	shalt  }
0x4e: {  	_ =	shalt  }
0x4f: {  	_ =	shalt  }
0x50: {  	_ =	shalt  }
0x51: {  	_ =	shalt  }
0x52: {  	_ =	shalt  }
0x53: {  	_ =	shalt  }
0x54: {  	_ =	shalt  }
0x55: {  	_ =	shalt  }
0x56: {  	_ =	shalt  }
0x57: {  	_ =	shalt  }
0x58: {  	_ =	shalt  }
0x59: {  	_ =	shalt  }
0x5a: {  	_ =	shalt  }
0x5b: {  	_ =	shalt  }
0x5c: {  	_ =	shalt  }
0x5d: {  	_ =	shalt  }
0x5e: {  	_ =	shalt  }
0x5f: {  	_ =	shalt  }
0x60: {  	_ =	shalt  }
0x61: {  	_ =	shalt  }
0x62: {  	_ =	shalt  }
0x63: {  	_ =	shalt  }
0x64: {  	_ =	shalt  }
0x65: {  	_ =	shalt  }
0x66: {  	_ =	shalt  }
0x67: {  	_ =	shalt  }
0x68: {  	_ =	shalt  }
0x69: {  	_ =	shalt  }
0x6a: {  	_ =	shalt  }
0x6b: {  	_ =	shalt  }
0x6c: {  	_ =	shalt  }
0x6d: {  	_ =	shalt  }
0x6e: {  	_ =	shalt  }
0x6f: {  	_ =	shalt  }
0x70: {  	_ =	shalt  }
0x71: {  	_ =	shalt  }
0x72: {  	_ =	shalt  }
0x73: {  	_ =	shalt  }
0x74: {  	_ =	shalt  }
0x75: {  	_ =	shalt  }
0x76: {  	_ =	shalt  }
0x77: {  	_ =	shalt  }
0x78: {  	_ =	shalt  }
0x79: {  	_ =	shalt  }
0x7a: {  	_ =	shalt  }
0x7b: {  	_ =	shalt  }
0x7c: {  	_ =	shalt  }
0x7d: {  	_ =	shalt  }
0x7e: {  	_ =	shalt  }
0x7f: {  	_ =	shalt  }
0x80: {  	_ =	shalt  }
0x81: {  	_ =	shalt  }
0x82: {  	_ =	shalt  }
0x83: {  	_ =	shalt  }
0x84: {  	_ =	shalt  }
0x85: {  	_ =	shalt  }
0x86: {  	_ =	shalt  }
0x87: {  	_ =	shalt  }
.Lfunc_end0:
.L_simem_size_0:
called_computation_lowered:
.L_overlay_start_0:
0x88: {  	s2 =	sld [smem:$0x3FD9]  }
0x89: {  	s3 =	sld [smem:$0x3FFE];
	_ =	sdelay $0x1  }
0x8a: {  	s1 =	srdreg.scid  }
0x8b: {  	s0 =	sand.u32 $0x1, s1  }
0x8c: {  	s17 =	sshll.u32 s0, $0xA;
	s2 =	sadd.s32 s3, s2  }
0x8d: {  	s2 =	sadd.s32 s2, s17  }
0x8e: {  	[smem:$0x3FC2] =	sst s2  }
0x8f: {  	_ = 	snop  }
0x90: {  	s2 =	sld [smem:$0x3FD0];
	(tm) =	ssettm $0x1  }
0x91: {  	s18 =	sld [smem:$0x3FFB];
	_ =	sdelay $0x3  }
0x92: {  	_ =	strace s18  }
0x93: {  	s3 =	sld [smem:$0x3FFC];
	_ =	sdelay $0x3  }
0x94: {  	_ =	strace s3  }
0x95: {  	s3 =	sld [smem:$0x3FFD];
	_ =	sdelay $0x3  }
0x96: {  	_ =	strace s3  }
0x97: {  	_ =	strace $0x8FFFFFFF  }
0x98: {  	s19 =	sld [smem:$0x3FDB];
	_ =	sdelay $0x1  }
0x99: {  	s4 =	simm.s32 $_scs_section_size  }
0x9a: {  	s5 =	simm.s32 $_size__tile_overlayer_lowered;
	s6 =	simm.s32 $_tile_overlayer_lowered  }
0x9b: {  	s22 =	simm.s32 $0x1BFF;
	s21 =	sshll.u32 s6, $0x1;
	s3 =	sadd.s32 s4, s19  }
0x9c: {  	s7 =	simm.s32 $0x0;
	s20 =	sshll.u32 s5, $0x1;
	s5 =	sadd.s32 s21, s3  }
0x9d: {  	[timem:s7], [sflag:s22] =	dma.local [hbm:s5], s20  }
0x9e: {  	_ =	swait.ge [sflag:s22], s20  }
0x9f: {  	s4 =	ssub.s32 $0x0, s20;
	[sflag:s22] =	ssyncset.done $0x0  }
0xa0: {  	[sflag:s22] =	ssyncadd.s32 s4;
	_ =	sdelay $0x1  }
0xa1: {  	s23 =	simm.s32 $0x1B8B  }
0xa2: {  	_ =	swait.ge [sflag:s23], $0x1  }
0xa3: {  	[sflag:s23] =	ssyncset.done $0x0  }
0xa4: {  	s25 =	simm.s32 $0x1B8E;
	s24 =	sld [smem:$0x3FFE];
	[sflag:s23] =	ssyncadd.s32 $0xFFFFFFFF  }
0xa5: {  	s26 =	simm.s32 $execute0_lowered;
	[smem:$0x3FD2] =	sst s25  }
0xa6: {  	s5 =	sshll.u32 s26, $0x1;
	_ =	strace $0x80000046;
	[dreg:$0x1] =	wrdreg $0xFFFFFFFF  }
0xa7: {  	s28 =	simm.s32 $_size_execute0_lowered;
	s3 =	sadd.s32 s3, s5;
	[dreg:$0x0] =	wrdreg $0x0  }
0xa8: {  	s5 =	sshll.u32 s28, $0x1;
	[dreg:$0x2] =	wrdreg s3  }
0xa9: {  	[dreg:$0x3] =	wrdreg s5  }
0xaa: {  	[dreg:$0x4] =	wrdreg $0xC0  }
0xab: {  	_ =	task [dreg:s7], $0x5FFFF  }
0xac: {  	[dreg:$0x1] =	wrdreg $0xFFFFFFFF  }
0xad: {  	[dreg:$0x0] =	wrdreg $0x60  }
0xae: {  	[dreg:$0x2] =	wrdreg s24  }
0xaf: {  	[dreg:$0x3] =	wrdreg s2  }
0xb0: {  	[dreg:$0x4] =	wrdreg $0x9  }
0xb1: {  	_ =	task.clear_ibuf [dreg:s7], $0x5FFFF;
	_ =	strace $0x90000046  }
0xb2: {  	s29 =	simm.s32 $0x9;
	_ =	strace $0x80000048  }
0xb3: {  	_ =	swait.ge [sflag:s29], $0x1  }
0xb4: {  	[sflag:s29] =	ssyncadd.s32 $0xFFFFFFFF  }
0xb5: {  	_ =	strace $0x90000048  }
0xb6: {  	_ =	sfence  }
0xb7: {  	s30 =	sld [smem:$0x0];
	_ =	sdelay $0x2  }
0xb8: {  	s31 =	sshll.u32 s1, $0xD;
	s1 =	sshrl.u32 s1, $0x2  }
0xb9: {  	s3 =	sand.u32 $0x4000, s31;
	s1 =	sadd.s32 s1, s30  }
0xba: {  	s0 =	sor.u32 s3, s0;
	s1 =	sshll.u32 s1, $0x11  }
0xbb: {  	s0 =	sor.u32 s1, s0  }
0xbc: {  	s0 =	sadd.s32 $0x8F2B, s0  }
0xbd: {  	[sflag:s0] =	ssyncadd.remote.s32 $0x1  }
0xbe: {  	_ =	sfence.sel $0xFFFF  }
0xbf: {  	[dreg:$0x0] =	wrdreg $0xFFFFFFFF;
	(pc) =	sbr.abs _section_cstart, $3  }
0xc0: {  	[dreg:$0x1] =	wrdreg $0xFFFFFFFF  }
0xc1: {  	_ =	task.clear_ibuf [dreg:s7], $0x2FFFF;
	_ =	strace $0x9FFFFFFF  }
0xc2: {  	(tm) =	ssettm $0x7FFFFFFF  }
0xc3: {  	_ =	shalt  }
tec
execute0_lowered:
.L_overlay_start_1:
0x0: {  	(tag) =	ssettag $0x1  }
0x1: {  	s4 =	rddreg [dreg:$0x0];
	v0 =	vimm.s32 $0xFEDCBA98;
	v1 =	vimm.s32 $0x76543210  }
0x2: {  	s5 =	rddreg [dreg:$0x1];
	v2 =	vimm.s32 $0xBA98FEDC;
	v3 =	vimm.s32 $0x32107654;
	v4 =	vimm.s32 $0xDCFE98BA  }
0x3: {  	s0 =	rddreg [dreg:$0x2];
	s1 =	simm.s32 $0x0;
	s3 =	srdreg.scid;
	v5 =	vimm.s32 $0x54761032;
	v6 =	vimm.s32 $0xEFCDAB89;
	v7 =	vimm.s32 $0x67452301  }
0x4: {  	s2 =	stileid.u32;
	s11 =	simm.s32 $0x8400;
	s12 =	simm.s32 $0x60;
	v0 =	vunpack.c.l.s4.s8 v0;
	v1 =	vunpack.c.l.s4.s8 v1;
	v2 =	vunpack.c.l.s4.s8 v2  }
0x5: {  	s13 =	simm.s32 $0x9E00;
	s14 =	simm.s32 $0xEC00;
	s15 =	simm.s32 $0x1;
	v3 =	vunpack.c.l.s4.s8 v3;
	v4 =	vunpack.c.l.s4.s8 v4;
	v5 =	vunpack.c.l.s4.s8 v5  }
0x6: {  	[smem:$0x7FF] =	sst s1;
	s3 =	sand.u32 $0x1, s3;
	s6 =	sshll.u32 s2, $0x1;
	v6 =	vunpack.c.l.s4.s8 v6;
	v7 =	vunpack.c.l.s4.s8 v7;
	v0 =	vunpack.c.0.s8.s32 v0  }
0x7: {  	s16 =	simm.s32 $0x0;
	_ =	strace $0x80000047;
	s6 =	sor.u32 s3, s6;
	v2 =	vunpack.c.0.s8.s32 v2;
	v3 =	vunpack.c.0.s8.s32 v3;
	v4 =	vunpack.c.0.s8.s32 v4  }
0x8: {  	s8 =	ssub.s32 $0x2, s3;
	s7 =	sshll.u32 s6, $0xA;
	s6 =	smul.u32 $0xC80, s6;
	v5 =	vunpack.c.0.s8.s32 v5;
	v6 =	vunpack.c.0.s8.s32 v6;
	v7 =	vunpack.c.0.s8.s32 v7  }
0x9: {  	s3 =	sadd.s32 $0xF43200, s4;
	s9 =	sshrl.u32 s8, $0x1;
	v1 =	vunpack.c.0.s8.s32 v1;
	s7 =	sadd.s32 s7, s4;
	v2 =	vcombine.low v3, v2  }
0xa: {  	s8 =	ssub.s32 s8, s9;
	s9 =	simm.s32 $0x6400;
	s10 =	sadd.s32 s6, s4;
	v3 =	vcombine.low v5, v4;
	v4 =	vcombine.low v7, v6;
	v0 =	vand.u32 $0xF, v0  }
0xb: {  	vm0 =	vcmask $0x3F3C;
	s4 =	sadd.s32 s5, s6;
	s5 =	sadd.s32 $0xE00, s7;
	s7 =	smax.u32 s8, $0x1;
	v0 =	vcombine.low v0, v1  }
0xc: {  	s8 =	simm.s32 $0x3;
	s6 =	sadd.s32 $0x8E00, s10;
	s10 =	simm.s32 $0x68;
	v1 =	vand.u32 $0xF, v2;
	v2 =	vand.u32 $0xF, v3;
	v3 =	vand.u32 $0xF, v4  }
.LBB2_1:
0xd: {  	[tilespmem:s1], [sflag:$0x3] =	stream.linear.gather [hbm4b:s4+s1], $0x6400, $0x38;
	[tilespmem:$0x15000] =	vst v63  }
0xe: {  	_ =	swait.ge [sflag:s8], $0x6400  }
0xf: {  	[sflag:s8] =	ssyncset.done $0x0  }
0x10: {  	[sflag:s8] =	ssyncadd.s32 $0xFFFF9C00  }
0x11: {  	[tilespmem:s9], [sflag:$0x3] =	stream.linear.gather [hbm4b:s5+s1], $0x2000, $0x38;
	[tilespmem:$0x15000] =	vst v63  }
0x12: {  	_ =	swait.ge [sflag:s8], $0x2000  }
0x13: {  	[sflag:s8] =	ssyncset.done $0x0  }
0x14: {  	[sflag:s8] =	ssyncadd.s32 $0xFFFFE000  }
0x15: {  	[tilespmem:s11], [sflag:$0x1] =	stream.indirect.gather [hbm4b:s3+s10], $0x40, s1, s10, $0xb8;
	[tilespmem:$0x15000] =	vst v63  }
0x16: {  	s17 =	simm.s32 $0x0  }
0x17: {  	[tilespmem:s13], [sflag:$0x1] =	stream.indirect.gather [hbm4b:s3+s12], $0x40, s10, s12, $0xb8;
	[tilespmem:$0x15000] =	vst v63  }
.LBB2_3:
0x18: {  	s19 =	smov.u32 s17;
	s17 =	sadd.s32 $0x1, s17  }
0x19: {  	s18 =	smin.u32 s17, $0x7F  }
0x1a: {  	s20 =	sand.u32 $0x1, s19;
	s18 =	smul.u32 $0x320, s18  }
0x1b: {  	p0 =	seq.s32 s20, $0x1  }
0x1c: {  	s20 =	simm.s32 @p0 $0x68;
	s21 =	simm.s32 @p0 $0x8400;
	s18 =	sshrl.u32 s18, $0x2  }
0x1d: {  	[tilespmem:s21], [sflag:$0x1] =	stream.indirect.gather @p0 [hbm4b:s3+s20], $0x40, s18, s20, $0xb8;
	[tilespmem:$0x15000] =	vst v63  }
0x1e: {  	s22 =	simm.s32 @p0 $0x9E00;
	s20 =	sadd.s32 $0x68, s18;
	s21 =	simm.s32 @p0 $0x60  }
0x1f: {  	[tilespmem:s22], [sflag:$0x1] =	stream.indirect.gather @p0 [hbm4b:s3+s21], $0x40, s20, s21, $0xb8;
	[tilespmem:$0x15000] =	vst v63  }
0x20: {  	s21 =	simm.s32 @!p0 $0x68;
	s22 =	simm.s32 @!p0 $0xB800  }
0x21: {  	[tilespmem:s22], [sflag:$0x2] =	stream.indirect.gather @!p0 [hbm4b:s3+s21], $0x40, s18, s21, $0xb8;
	[tilespmem:$0x15000] =	vst v63  }
0x22: {  	s18 =	simm.s32 @!p0 $0x60;
	s21 =	simm.s32 @!p0 $0xD200  }
0x23: {  	[tilespmem:s21], [sflag:$0x2] =	stream.indirect.gather @!p0 [hbm4b:s3+s18], $0x40, s20, s18, $0xb8;
	[tilespmem:$0x15000] =	vst v63  }
0x24: {  	s18 =	simm.s32 @!p0 $0x1  }
0x25: {  	s18 =	simm.s32 @p0 $0x2  }
0x26: {  	_ =	swait.ge [sflag:s18], $0x3200  }
0x27: {  	s29 =	sshll.u32 s19, $0x6;
	s20 =	simm.s32 @!p0 $0x0;
	[sflag:s18] =	ssyncset.done $0x0  }
0x28: {  	s21 =	sand.u32 $0x3FFFFFC0, s29;
	s20 =	simm.s32 @p0 $0xD0;
	[sflag:s18] =	ssyncadd.s32 $0xFFFFCE00  }
0x29: {  	s30 =	sshll.u32 s20, $0x6;
	v4 =	vld [tilespmem:s21+$0x6400]  }
0x2a: {  	s18 =	sadd.s32 $0x8500, s30;
	v5 =	vld [tilespmem:s21+$0x6410]  }
0x2b: {  	v8 =	vld [tilespmem:s18+$0xFFFFFF10]  }
0x2c: {  	v9 =	vld [tilespmem:s18+$0xFFFFFF00]  }
0x2d: {  	v6 =	vld [tilespmem:s21+$0x6420]  }
0x2e: {  	v10 =	vld [tilespmem:s18+$0xFFFFFF20]  }
0x2f: {  	v7 =	vld [tilespmem:s21+$0x6430]  }
0x30: {  	v11 =	vld [tilespmem:s18+$0xFFFFFF30]  }
0x31: {  	v8 =	vmul.f32 v8, v5;
	v9 =	vmul.f32 v9, v4;
	_ =	sdelay $0x1  }
0x32: {  	v8 =	vadd.f32 v8, v9;
	v9 =	vmul.f32 v10, v6;
	_ =	sdelay $0x1  }
0x33: {  	v8 =	vadd.f32 v9, v8;
	v9 =	vmul.f32 v11, v7;
	_ =	sdelay $0x1  }
0x34: {  	v8 =	vadd.f32 v9, v8;
	_ =	sdelay $0x1  }
0x35: {  	v9 =	vperm.xlane v8, v0;
	_ =	sdelay $0x1  }
0x36: {  	v8 =	vadd.f32 v8, v9;
	_ =	sdelay $0x1  }
0x37: {  	v9 =	vperm.xlane v8, v1;
	_ =	sdelay $0x1  }
0x38: {  	v8 =	vadd.f32 v8, v9;
	_ =	sdelay $0x1  }
0x39: {  	s19 =	smul.u32 $0xC8, s19;
	v9 =	vperm.xlane v8, v2;
	_ =	sdelay $0x1  }
0x3a: {  	s31 =	sadd.s32 $0x0, s19;
	v9 =	vadd.f32 v8, v9  }
0x3b: {  	v8 =	vmov s31  }
0x3c: {  	v10 =	vperm.xlane v9, v3;
	_ =	sdelay $0x1  }
0x3d: {  	v9 =	vadd.f32 v9, v10;
	_ =	sdelay $0x1  }
0x3e: {  	[tilespmem:v8+s14+$0x0] =	vst.idx.msk vm0, v9  }
0x3f: {  	v9 =	vld [tilespmem:s18+$0xFFFFFF40]  }
0x40: {  	v10 =	vld [tilespmem:s18+$0xFFFFFF50];
	_ =	sdelay $0x1  }
0x41: {  	v11 =	vld [tilespmem:s18+$0xFFFFFF60];
	_ =	sdelay $0x1  }
0x42: {  	v12 =	vld [tilespmem:s18+$0xFFFFFF70]  }
0x43: {  	v9 =	vmul.f32 v9, v4;
	v10 =	vmul.f32 v10, v5;
	_ =	sdelay $0x1  }
0x44: {  	v9 =	vadd.f32 v10, v9;
	v10 =	vmul.f32 v11, v6;
	_ =	sdelay $0x1  }
0x45: {  	v9 =	vadd.f32 v10, v9;
	v10 =	vmul.f32 v12, v7;
	_ =	sdelay $0x1  }
0x46: {  	v9 =	vadd.f32 v10, v9;
	_ =	sdelay $0x1  }
0x47: {  	v10 =	vperm.xlane v9, v0;
	_ =	sdelay $0x1  }
0x48: {  	v9 =	vadd.f32 v9, v10;
	_ =	sdelay $0x1  }
0x49: {  	v10 =	vperm.xlane v9, v1;
	_ =	sdelay $0x1  }
0x4a: {  	v9 =	vadd.f32 v9, v10;
	_ =	sdelay $0x1  }
0x4b: {  	v10 =	vperm.xlane v9, v2;
	_ =	sdelay $0x1  }
0x4c: {  	v9 =	vadd.f32 v9, v10  }
0x4d: {  	v10 =	vor.u32 $0x1, v8  }
0x4e: {  	v11 =	vperm.xlane v9, v3;
	_ =	sdelay $0x1  }
0x4f: {  	v9 =	vadd.f32 v9, v11;
	_ =	sdelay $0x1  }
0x50: {  	[tilespmem:v10+s14+$0x0] =	vst.idx.msk vm0, v9  }
0x51: {  	v9 =	vld [tilespmem:s18+$0xFFFFFF80]  }
0x52: {  	v10 =	vld [tilespmem:s18+$0xFFFFFF90];
	_ =	sdelay $0x1  }
0x53: {  	v11 =	vld [tilespmem:s18+$0xFFFFFFA0];
	_ =	sdelay $0x1  }
0x54: {  	v59 =	vld [tilespmem:s18+$0xFFFFFFB0]  }
0x55: {  	v9 =	vmul.f32 v9, v4;
	v10 =	vmul.f32 v10, v5;
	_ =	sdelay $0x1  }
0x56: {  	v9 =	vadd.f32 v10, v9;
	v10 =	vmul.f32 v11, v6;
	_ =	sdelay $0x1  }
0x57: {  	v9 =	vadd.f32 v10, v9;
	v10 =	vmul.f32 v59, v7;
	_ =	sdelay $0x1  }
0x58: {  	v9 =	vadd.f32 v10, v9;
	_ =	sdelay $0x1  }
0x59: {  	v10 =	vperm.xlane v9, v0;
	_ =	sdelay $0x1  }
0x5a: {  	v9 =	vadd.f32 v9, v10;
	_ =	sdelay $0x1  }
0x5b: {  	v10 =	vperm.xlane v9, v1;
	_ =	sdelay $0x1  }
0x5c: {  	v9 =	vadd.f32 v9, v10;
	_ =	sdelay $0x1  }
0x5d: {  	v10 =	vperm.xlane v9, v2;
	_ =	sdelay $0x1  }
0x5e: {  	v9 =	vadd.f32 v9, v10  }
0x5f: {  	v10 =	vor.u32 $0x2, v8  }
0x60: {  	v11 =	vperm.xlane v9, v3;
	_ =	sdelay $0x1  }
0x61: {  	v9 =	vadd.f32 v9, v11;
	_ =	sdelay $0x1  }
0x62: {  	[tilespmem:v10+s14+$0x0] =	vst.idx.msk vm0, v9  }
0x63: {  	v9 =	vld [tilespmem:s18+$0xFFFFFFC0]  }
0x64: {  	v10 =	vld [tilespmem:s18+$0xFFFFFFD0];
	_ =	sdelay $0x1  }
0x65: {  	v11 =	vld [tilespmem:s18+$0xFFFFFFE0];
	_ =	sdelay $0x1  }
0x66: {  	v60 =	vld [tilespmem:s18+$0xFFFFFFF0]  }
0x67: {  	v9 =	vmul.f32 v9, v4;
	v10 =	vmul.f32 v10, v5;
	_ =	sdelay $0x1  }
0x68: {  	v9 =	vadd.f32 v10, v9;
	v10 =	vmul.f32 v11, v6;
	_ =	sdelay $0x1  }
0x69: {  	v9 =	vadd.f32 v10, v9;
	v10 =	vmul.f32 v60, v7;
	_ =	sdelay $0x1  }
0x6a: {  	v9 =	vadd.f32 v10, v9;
	_ =	sdelay $0x1  }
0x6b: {  	v10 =	vperm.xlane v9, v0;
	_ =	sdelay $0x1  }
0x6c: {  	v9 =	vadd.f32 v9, v10;
	_ =	sdelay $0x1  }
0x6d: {  	v10 =	vperm.xlane v9, v1;
	_ =	sdelay $0x1  }
0x6e: {  	v9 =	vadd.f32 v9, v10;
	_ =	sdelay $0x1  }
0x6f: {  	v10 =	vperm.xlane v9, v2;
	_ =	sdelay $0x1  }
0x70: {  	v9 =	vadd.f32 v9, v10  }
0x71: {  	v10 =	vor.u32 $0x3, v8  }
0x72: {  	v11 =	vperm.xlane v9, v3;
	_ =	sdelay $0x1  }
0x73: {  	v9 =	vadd.f32 v9, v11;
	_ =	sdelay $0x1  }
0x74: {  	[tilespmem:v10+s14+$0x0] =	vst.idx.msk vm0, v9  }
0x75: {  	v9 =	vld [tilespmem:s18+$0x0]  }
0x76: {  	v10 =	vld [tilespmem:s18+$0x10];
	_ =	sdelay $0x1  }
0x77: {  	v11 =	vld [tilespmem:s18+$0x20];
	_ =	sdelay $0x1  }
0x78: {  	v61 =	vld [tilespmem:s18+$0x30]  }
0x79: {  	v9 =	vmul.f32 v9, v4;
	v10 =	vmul.f32 v10, v5;
	_ =	sdelay $0x1  }
0x7a: {  	v9 =	vadd.f32 v10, v9;
	v10 =	vmul.f32 v11, v6;
	_ =	sdelay $0x1  }
0x7b: {  	v9 =	vadd.f32 v10, v9;
	v10 =	vmul.f32 v61, v7;
	_ =	sdelay $0x1  }
0x7c: {  	v9 =	vadd.f32 v10, v9;
	_ =	sdelay $0x1  }
0x7d: {  	v10 =	vperm.xlane v9, v0;
	_ =	sdelay $0x1  }
0x7e: {  	v9 =	vadd.f32 v9, v10;
	_ =	sdelay $0x1  }
0x7f: {  	v10 =	vperm.xlane v9, v1;
	_ =	sdelay $0x1  }
0x80: {  	v9 =	vadd.f32 v9, v10;
	_ =	sdelay $0x1  }
0x81: {  	v10 =	vperm.xlane v9, v2;
	_ =	sdelay $0x1  }
0x82: {  	v9 =	vadd.f32 v9, v10  }
0x83: {  	v10 =	vor.u32 $0x4, v8  }
0x84: {  	v11 =	vperm.xlane v9, v3;
	_ =	sdelay $0x1  }
0x85: {  	v9 =	vadd.f32 v9, v11;
	_ =	sdelay $0x1  }
0x86: {  	[tilespmem:v10+s14+$0x0] =	vst.idx.msk vm0, v9  }
0x87: {  	v9 =	vld [tilespmem:s18+$0x40]  }
0x88: {  	v10 =	vld [tilespmem:s18+$0x50];
	_ =	sdelay $0x1  }
0x89: {  	v11 =	vld [tilespmem:s18+$0x60];
	_ =	sdelay $0x1  }
0x8a: {  	v62 =	vld [tilespmem:s18+$0x70]  }
0x8b: {  	v9 =	vmul.f32 v9, v4;
	v10 =	vmul.f32 v10, v5;
	_ =	sdelay $0x1  }
0x8c: {  	v9 =	vadd.f32 v10, v9;
	v10 =	vmul.f32 v11, v6;
	_ =	sdelay $0x1  }
0x8d: {  	v9 =	vadd.f32 v10, v9;
	v10 =	vmul.f32 v62, v7;
	_ =	sdelay $0x1  }
0x8e: {  	v9 =	vadd.f32 v10, v9;
	_ =	sdelay $0x1  }
0x8f: {  	v10 =	vperm.xlane v9, v0;
	_ =	sdelay $0x1  }
0x90: {  	v9 =	vadd.f32 v9, v10;
	_ =	sdelay $0x1  }
0x91: {  	v10 =	vperm.xlane v9, v1;
	_ =	sdelay $0x1  }
0x92: {  	v9 =	vadd.f32 v9, v10;
	_ =	sdelay $0x1  }
0x93: {  	v10 =	vperm.xlane v9, v2;
	_ =	sdelay $0x1  }
0x94: {  	v9 =	vadd.f32 v9, v10  }
0x95: {  	v10 =	vor.u32 $0x5, v8  }
0x96: {  	v11 =	vperm.xlane v9, v3;
	_ =	sdelay $0x1  }
0x97: {  	v9 =	vadd.f32 v9, v11;
	_ =	sdelay $0x1  }
0x98: {  	[tilespmem:v10+s14+$0x0] =	vst.idx.msk vm0, v9  }
0x99: {  	v9 =	vld [tilespmem:s18+$0x80]  }
0x9a: {  	v10 =	vld [tilespmem:s18+$0x90];
	_ =	sdelay $0x1  }
0x9b: {  	v11 =	vld [tilespmem:s18+$0xA0];
	_ =	sdelay $0x1  }
0x9c: {  	v63 =	vld [tilespmem:s18+$0xB0]  }
0x9d: {  	v9 =	vmul.f32 v9, v4;
	v10 =	vmul.f32 v10, v5;
	_ =	sdelay $0x1  }
0x9e: {  	v9 =	vadd.f32 v10, v9;
	v10 =	vmul.f32 v11, v6;
	_ =	sdelay $0x1  }
0x9f: {  	v9 =	vadd.f32 v10, v9;
	v10 =	vmul.f32 v63, v7;
	_ =	sdelay $0x1  }
0xa0: {  	v9 =	vadd.f32 v10, v9;
	_ =	sdelay $0x1  }
0xa1: {  	v10 =	vperm.xlane v9, v0;
	_ =	sdelay $0x1  }
0xa2: {  	v9 =	vadd.f32 v9, v10;
	_ =	sdelay $0x1  }
0xa3: {  	v10 =	vperm.xlane v9, v1;
	_ =	sdelay $0x1  }
0xa4: {  	v9 =	vadd.f32 v9, v10;
	_ =	sdelay $0x1  }
0xa5: {  	v10 =	vperm.xlane v9, v2;
	_ =	sdelay $0x1  }
0xa6: {  	v9 =	vadd.f32 v9, v10  }
0xa7: {  	v10 =	vor.u32 $0x6, v8  }
0xa8: {  	v11 =	vperm.xlane v9, v3;
	_ =	sdelay $0x1  }
0xa9: {  	v9 =	vadd.f32 v9, v11;
	_ =	sdelay $0x1  }
0xaa: {  	[tilespmem:v10+s14+$0x0] =	vst.idx.msk vm0, v9  }
0xab: {  	v9 =	vld [tilespmem:s18+$0xC0]  }
0xac: {  	s20 =	simm.s32 $0x8;
	s21 =	smov.u32 s18;
	v8 =	vor.u32 $0x7, v8;
	v10 =	vld [tilespmem:s18+$0xD0]  }
.LBB2_4:
0xad: {  	p0 =	seq.s32 s20, $0xC0  }
0xae: {  	v11 =	vld [tilespmem:s18+$0xF0];
	s21 =	sadd.s32 $0x200, s21;
	s22 =	smov.u32 s20;
	s20 =	sadd.s32 $0x8, s20  }
0xaf: {  	v12 =	vld [tilespmem:s18+$0xE0];
	s18 =	smov.u32 s21;
	_ =	sdelay $0x2  }
0xb0: {  	v9 =	vmul.f32 v9, v4;
	v10 =	vmul.f32 v10, v5  }
0xb1: {  	v11 =	vmul.f32 v11, v7  }
0xb2: {  	v9 =	vadd.f32 v10, v9;
	v10 =	vmul.f32 v12, v6;
	_ =	sdelay $0x1  }
0xb3: {  	v9 =	vadd.f32 v10, v9;
	_ =	sdelay $0x1  }
0xb4: {  	v9 =	vadd.f32 v11, v9;
	_ =	sdelay $0x1  }
0xb5: {  	v10 =	vperm.xlane v9, v0;
	_ =	sdelay $0x1  }
0xb6: {  	v9 =	vadd.f32 v9, v10;
	_ =	sdelay $0x1  }
0xb7: {  	v10 =	vperm.xlane v9, v1;
	_ =	sdelay $0x1  }
0xb8: {  	v9 =	vadd.f32 v9, v10;
	_ =	sdelay $0x1  }
0xb9: {  	v10 =	vperm.xlane v9, v2;
	_ =	sdelay $0x1  }
0xba: {  	v9 =	vadd.f32 v9, v10;
	_ =	sdelay $0x1  }
0xbb: {  	v10 =	vperm.xlane v9, v3;
	_ =	sdelay $0x1  }
0xbc: {  	v9 =	vadd.f32 v9, v10;
	_ =	sdelay $0x1  }
0xbd: {  	[tilespmem:v8+s14+$0x0] =	vst.idx.msk vm0, v9  }
0xbe: {  	v8 =	vld [tilespmem:s21+$0xFFFFFF10]  }
0xbf: {  	v9 =	vld [tilespmem:s21+$0xFFFFFF00];
	_ =	sdelay $0x1  }
0xc0: {  	v10 =	vld [tilespmem:s21+$0xFFFFFF20];
	_ =	sdelay $0x1  }
0xc1: {  	v8 =	vmul.f32 v8, v5;
	v11 =	vld [tilespmem:s21+$0xFFFFFF30]  }
0xc2: {  	v9 =	vmul.f32 v9, v4;
	_ =	sdelay $0x1  }
0xc3: {  	v8 =	vadd.f32 v8, v9;
	v9 =	vmul.f32 v10, v6;
	_ =	sdelay $0x1  }
0xc4: {  	v8 =	vadd.f32 v9, v8;
	v9 =	vmul.f32 v11, v7;
	_ =	sdelay $0x1  }
0xc5: {  	v8 =	vadd.f32 v9, v8;
	_ =	sdelay $0x1  }
0xc6: {  	v9 =	vperm.xlane v8, v0;
	_ =	sdelay $0x1  }
0xc7: {  	v8 =	vadd.f32 v8, v9;
	_ =	sdelay $0x1  }
0xc8: {  	v9 =	vperm.xlane v8, v1;
	_ =	sdelay $0x1  }
0xc9: {  	v8 =	vadd.f32 v8, v9;
	_ =	sdelay $0x1  }
0xca: {  	v9 =	vperm.xlane v8, v2;
	_ =	sdelay $0x1  }
0xcb: {  	s22 =	sadd.s32 s19, s22;
	v9 =	vadd.f32 v8, v9  }
0xcc: {  	v8 =	vmov s22  }
0xcd: {  	v10 =	vperm.xlane v9, v3;
	_ =	sdelay $0x1  }
0xce: {  	v9 =	vadd.f32 v9, v10;
	_ =	sdelay $0x1  }
0xcf: {  	[tilespmem:v8+s14+$0x0] =	vst.idx.msk vm0, v9  }
0xd0: {  	v9 =	vld [tilespmem:s21+$0xFFFFFF40]  }
0xd1: {  	v10 =	vld [tilespmem:s21+$0xFFFFFF50];
	_ =	sdelay $0x1  }
0xd2: {  	v11 =	vld [tilespmem:s21+$0xFFFFFF60];
	_ =	sdelay $0x1  }
0xd3: {  	v12 =	vld [tilespmem:s21+$0xFFFFFF70]  }
0xd4: {  	v9 =	vmul.f32 v9, v4;
	v10 =	vmul.f32 v10, v5;
	_ =	sdelay $0x1  }
0xd5: {  	v9 =	vadd.f32 v10, v9;
	v10 =	vmul.f32 v11, v6;
	_ =	sdelay $0x1  }
0xd6: {  	v9 =	vadd.f32 v10, v9;
	v10 =	vmul.f32 v12, v7;
	_ =	sdelay $0x1  }
0xd7: {  	v9 =	vadd.f32 v10, v9;
	_ =	sdelay $0x1  }
0xd8: {  	v10 =	vperm.xlane v9, v0;
	_ =	sdelay $0x1  }
0xd9: {  	v9 =	vadd.f32 v9, v10;
	_ =	sdelay $0x1  }
0xda: {  	v10 =	vperm.xlane v9, v1;
	_ =	sdelay $0x1  }
0xdb: {  	v9 =	vadd.f32 v9, v10;
	_ =	sdelay $0x1  }
0xdc: {  	v10 =	vperm.xlane v9, v2;
	_ =	sdelay $0x1  }
0xdd: {  	v9 =	vadd.f32 v9, v10  }
0xde: {  	v10 =	vor.u32 $0x1, v8  }
0xdf: {  	v11 =	vperm.xlane v9, v3;
	_ =	sdelay $0x1  }
0xe0: {  	v9 =	vadd.f32 v9, v11;
	_ =	sdelay $0x1  }
0xe1: {  	[tilespmem:v10+s14+$0x0] =	vst.idx.msk vm0, v9  }
0xe2: {  	v9 =	vld [tilespmem:s21+$0xFFFFFF80]  }
0xe3: {  	v10 =	vld [tilespmem:s21+$0xFFFFFF90]  }
0xe4: {  	v11 =	vld [tilespmem:s21+$0xFFFFFFA0];
	_ =	sdelay $0x2  }
0xe5: {  	v12 =	vld [tilespmem:s21+$0xFFFFFFB0]  }
0xe6: {  	v9 =	vmul.f32 v9, v4;
	v10 =	vmul.f32 v10, v5;
	_ =	sdelay $0x1  }
0xe7: {  	v9 =	vadd.f32 v10, v9;
	v10 =	vmul.f32 v11, v6;
	_ =	sdelay $0x1  }
0xe8: {  	v9 =	vadd.f32 v10, v9;
	v10 =	vmul.f32 v12, v7;
	_ =	sdelay $0x1  }
0xe9: {  	v9 =	vadd.f32 v10, v9;
	_ =	sdelay $0x1  }
0xea: {  	v10 =	vperm.xlane v9, v0;
	_ =	sdelay $0x1  }
0xeb: {  	v9 =	vadd.f32 v9, v10;
	_ =	sdelay $0x1  }
0xec: {  	v10 =	vperm.xlane v9, v1;
	_ =	sdelay $0x1  }
0xed: {  	v9 =	vadd.f32 v9, v10;
	_ =	sdelay $0x1  }
0xee: {  	v10 =	vperm.xlane v9, v2;
	_ =	sdelay $0x1  }
0xef: {  	v9 =	vadd.f32 v9, v10  }
0xf0: {  	v10 =	vor.u32 $0x2, v8  }
0xf1: {  	v11 =	vperm.xlane v9, v3;
	_ =	sdelay $0x1  }
0xf2: {  	v9 =	vadd.f32 v9, v11;
	_ =	sdelay $0x1  }
0xf3: {  	[tilespmem:v10+s14+$0x0] =	vst.idx.msk vm0, v9  }
0xf4: {  	v9 =	vld [tilespmem:s21+$0xFFFFFFC0]  }
0xf5: {  	v10 =	vld [tilespmem:s21+$0xFFFFFFD0]  }
0xf6: {  	v11 =	vld [tilespmem:s21+$0xFFFFFFE0];
	_ =	sdelay $0x2  }
0xf7: {  	v12 =	vld [tilespmem:s21+$0xFFFFFFF0]  }
0xf8: {  	v9 =	vmul.f32 v9, v4;
	v10 =	vmul.f32 v10, v5;
	_ =	sdelay $0x1  }
0xf9: {  	v9 =	vadd.f32 v10, v9;
	v10 =	vmul.f32 v11, v6;
	_ =	sdelay $0x1  }
0xfa: {  	v9 =	vadd.f32 v10, v9;
	v10 =	vmul.f32 v12, v7;
	_ =	sdelay $0x1  }
0xfb: {  	v9 =	vadd.f32 v10, v9;
	_ =	sdelay $0x1  }
0xfc: {  	v10 =	vperm.xlane v9, v0;
	_ =	sdelay $0x1  }
0xfd: {  	v9 =	vadd.f32 v9, v10;
	_ =	sdelay $0x1  }
0xfe: {  	v10 =	vperm.xlane v9, v1;
	_ =	sdelay $0x1  }
0xff: {  	v9 =	vadd.f32 v9, v10;
	_ =	sdelay $0x1  }
0x100: {  	v10 =	vperm.xlane v9, v2;
	_ =	sdelay $0x1  }
0x101: {  	v9 =	vadd.f32 v9, v10  }
0x102: {  	v10 =	vor.u32 $0x3, v8  }
0x103: {  	v11 =	vperm.xlane v9, v3;
	_ =	sdelay $0x1  }
0x104: {  	v9 =	vadd.f32 v9, v11;
	_ =	sdelay $0x1  }
0x105: {  	[tilespmem:v10+s14+$0x0] =	vst.idx.msk vm0, v9  }
0x106: {  	v9 =	vld [tilespmem:s21+$0x0]  }
0x107: {  	v10 =	vld [tilespmem:s21+$0x10];
	_ =	sdelay $0x1  }
0x108: {  	v11 =	vld [tilespmem:s21+$0x20];
	_ =	sdelay $0x1  }
0x109: {  	v9 =	vmul.f32 v9, v4;
	v12 =	vld [tilespmem:s21+$0x30]  }
0x10a: {  	v10 =	vmul.f32 v10, v5;
	_ =	sdelay $0x1  }
0x10b: {  	v9 =	vadd.f32 v10, v9;
	v10 =	vmul.f32 v11, v6;
	_ =	sdelay $0x1  }
0x10c: {  	v9 =	vadd.f32 v10, v9;
	v10 =	vmul.f32 v12, v7;
	_ =	sdelay $0x1  }
0x10d: {  	v9 =	vadd.f32 v10, v9;
	_ =	sdelay $0x1  }
0x10e: {  	v10 =	vperm.xlane v9, v0;
	_ =	sdelay $0x1  }
0x10f: {  	v9 =	vadd.f32 v9, v10;
	_ =	sdelay $0x1  }
0x110: {  	v10 =	vperm.xlane v9, v1;
	_ =	sdelay $0x1  }
0x111: {  	v9 =	vadd.f32 v9, v10;
	_ =	sdelay $0x1  }
0x112: {  	v10 =	vperm.xlane v9, v2;
	_ =	sdelay $0x1  }
0x113: {  	v9 =	vadd.f32 v9, v10  }
0x114: {  	v10 =	vor.u32 $0x4, v8  }
0x115: {  	v11 =	vperm.xlane v9, v3;
	_ =	sdelay $0x1  }
0x116: {  	v9 =	vadd.f32 v9, v11;
	_ =	sdelay $0x1  }
0x117: {  	[tilespmem:v10+s14+$0x0] =	vst.idx.msk vm0, v9  }
0x118: {  	v9 =	vld [tilespmem:s21+$0x40]  }
0x119: {  	v10 =	vld [tilespmem:s21+$0x50]  }
0x11a: {  	v11 =	vld [tilespmem:s21+$0x60]  }
0x11b: {  	v12 =	vld [tilespmem:s21+$0x70];
	_ =	sdelay $0x1  }
0x11c: {  	v9 =	vmul.f32 v9, v4  }
0x11d: {  	v10 =	vmul.f32 v10, v5;
	_ =	sdelay $0x1  }
0x11e: {  	v9 =	vadd.f32 v10, v9;
	v10 =	vmul.f32 v11, v6;
	_ =	sdelay $0x1  }
0x11f: {  	v9 =	vadd.f32 v10, v9;
	v10 =	vmul.f32 v12, v7;
	_ =	sdelay $0x1  }
0x120: {  	v9 =	vadd.f32 v10, v9;
	_ =	sdelay $0x1  }
0x121: {  	v10 =	vperm.xlane v9, v0;
	_ =	sdelay $0x1  }
0x122: {  	v9 =	vadd.f32 v9, v10;
	_ =	sdelay $0x1  }
0x123: {  	v10 =	vperm.xlane v9, v1;
	_ =	sdelay $0x1  }
0x124: {  	v9 =	vadd.f32 v9, v10;
	_ =	sdelay $0x1  }
0x125: {  	v10 =	vperm.xlane v9, v2;
	_ =	sdelay $0x1  }
0x126: {  	v9 =	vadd.f32 v9, v10  }
0x127: {  	v10 =	vor.u32 $0x5, v8  }
0x128: {  	v11 =	vperm.xlane v9, v3;
	_ =	sdelay $0x1  }
0x129: {  	v9 =	vadd.f32 v9, v11;
	_ =	sdelay $0x1  }
0x12a: {  	[tilespmem:v10+s14+$0x0] =	vst.idx.msk vm0, v9  }
0x12b: {  	v9 =	vld [tilespmem:s21+$0x80]  }
0x12c: {  	v10 =	vld [tilespmem:s21+$0x90]  }
0x12d: {  	v11 =	vld [tilespmem:s21+$0xA0]  }
0x12e: {  	v12 =	vld [tilespmem:s21+$0xB0];
	_ =	sdelay $0x1  }
0x12f: {  	v9 =	vmul.f32 v9, v4  }
0x130: {  	v10 =	vmul.f32 v10, v5;
	_ =	sdelay $0x1  }
0x131: {  	v9 =	vadd.f32 v10, v9;
	v10 =	vmul.f32 v11, v6;
	_ =	sdelay $0x1  }
0x132: {  	v9 =	vadd.f32 v10, v9;
	v10 =	vmul.f32 v12, v7;
	_ =	sdelay $0x1  }
0x133: {  	v9 =	vadd.f32 v10, v9;
	_ =	sdelay $0x1  }
0x134: {  	v10 =	vperm.xlane v9, v0;
	_ =	sdelay $0x1  }
0x135: {  	v9 =	vadd.f32 v9, v10;
	_ =	sdelay $0x1  }
0x136: {  	v10 =	vperm.xlane v9, v1;
	_ =	sdelay $0x1  }
0x137: {  	v9 =	vadd.f32 v9, v10;
	_ =	sdelay $0x1  }
0x138: {  	v10 =	vperm.xlane v9, v2;
	_ =	sdelay $0x1  }
0x139: {  	v9 =	vadd.f32 v9, v10  }
0x13a: {  	v10 =	vor.u32 $0x6, v8  }
0x13b: {  	v11 =	vperm.xlane v9, v3;
	_ =	sdelay $0x1  }
.Ltmp0:
0x13c: {  	v8 =	vor.u32 $0x7, v8;
	v9 =	vadd.f32 v9, v11;
	(pc) =	sbr.rel @!p0 .LBB2_4-.Ltmp0, $4  }
0x13d: {  	_ = 	snop  }
0x13e: {  	[tilespmem:v10+s14+$0x0] =	vst.idx.msk vm0, v9  }
0x13f: {  	v9 =	vld [tilespmem:s21+$0xC0]  }
0x140: {  	v10 =	vld [tilespmem:s21+$0xD0]  }
0x141: {  	_ = 	snop  }
0x142: {  	v11 =	vld [tilespmem:s18+$0xE0];
	_ =	sdelay $0x1  }
0x143: {  	v12 =	vld [tilespmem:s18+$0xF0]  }
0x144: {  	v4 =	vmul.f32 v9, v4;
	v5 =	vmul.f32 v10, v5;
	_ =	sdelay $0x1  }
0x145: {  	v4 =	vadd.f32 v5, v4;
	v5 =	vmul.f32 v11, v6;
	_ =	sdelay $0x1  }
0x146: {  	v63 =	vmul.f32 v12, v7;
	v4 =	vadd.f32 v5, v4;
	_ =	sdelay $0x1  }
0x147: {  	v4 =	vadd.f32 v63, v4;
	_ =	sdelay $0x1  }
0x148: {  	v5 =	vperm.xlane v4, v0;
	_ =	sdelay $0x1  }
0x149: {  	v4 =	vadd.f32 v4, v5;
	_ =	sdelay $0x1  }
0x14a: {  	v5 =	vperm.xlane v4, v1;
	_ =	sdelay $0x1  }
0x14b: {  	v4 =	vadd.f32 v4, v5;
	_ =	sdelay $0x1  }
0x14c: {  	v5 =	vperm.xlane v4, v2;
	_ =	sdelay $0x1  }
0x14d: {  	v4 =	vadd.f32 v4, v5;
	_ =	sdelay $0x1  }
0x14e: {  	v5 =	vperm.xlane v4, v3;
	_ =	sdelay $0x1  }
0x14f: {  	v4 =	vadd.f32 v4, v5;
	_ =	sdelay $0x1  }
0x150: {  	[tilespmem:v8+s14+$0x0] =	vst.idx.msk vm0, v4  }
0x151: {  	p0 =	seq.s32 s17, $0x80  }
.Ltmp1:
0x152: {  	_ = 	snop;
	(pc) =	sbr.rel @!p0 .LBB2_3-.Ltmp1, $1  }
0x153: {  	_ =	sdelay $0x3  }
0x154: {  	_ =	swait.ge [sflag:s15], $0x3200;
	s16 =	sadd.s32 $0x1, s16  }
0x155: {  	[sflag:s15] =	ssyncset.done $0x0;
	p0 =	sne.s32 s16, s7  }
.Ltmp2:
0x156: {  	[sflag:s15] =	ssyncadd.s32 $0xFFFFCE00;
	(pc) =	sbr.rel @p0 .LBB2_1-.Ltmp2, $4  }
0x157: {  	[hbm4b:s6+s1] =	stream.linear.scatter [tilespmem:s14], [sflag:$0x3], $0x6400, $0x38;
	[tilespmem:$0x15000] =	vst v63  }
0x158: {  	_ =	swait.ge [sflag:s8], $0x6400  }
0x159: {  	[sflag:s8] =	ssyncset.done $0x0  }
0x15a: {  	[sflag:s8] =	ssyncadd.s32 $0xFFFF9C00  }
0x15b: {  	_ =	sfence.sel $0x180000  }
0x15c: {  	[bflag:$0x0] =	sbarrier.arrive $0xFFFF  }
0x15d: {  	p0 =	sne.s32 s2, $0x0;
	_ =	strace $0x90000047  }
0x15e: {  	s0 =	sadd.s32 @!p0 $0x100000, s0;
	[bflag:$0x2] =	sbarrier.arrive $0xFFFF  }
0x15f: {  	[sflag:s0] =	ssyncadd.tile.s32 @!p0 $0x1;
	_ =	shalt  }
.Lfunc_end2:
_tile_overlayer_lowered:
.L_overlay_start_2:
0x160: {  	(tag) =	ssettag $0x2  }
0x161: {  	s0 =	rddreg [dreg:$0x0];
	s2 =	stileid.u32  }
0x162: {  	s1 =	rddreg [dreg:$0x1];
	p0 =	sne.s32 s2, $0x0  }
0x163: {  	s3 =	rddreg [dreg:$0x2];
	[bflag:$0x3] =	sbarrier.arrive $0xFFFF;
	s2 =	simm.s32 @!p0 $0x1C03  }
0x164: {  	[timem:s3], [sflag:s2] =	dma.local @!p0 [hbm:s0], s1  }
0x165: {  	s0 =	simm.s32 @!p0 $0x3  }
0x166: {  	_ =	swait.ge @!p0 [sflag:s0], s1  }
0x167: {  	s1 =	ssub.s32 @!p0 $0x0, s1;
	[sflag:s0] =	ssyncset.done @!p0 $0x0  }
0x168: {  	[sflag:s0] =	ssyncadd.s32 @!p0 s1  }
0x169: {  	[bflag:$0x3] =	sbarrier.arrive $0xFFFF  }
0x16a: {  	_ =	shalt  }

</sc_bundles>
